<compile_context>
chip_gen: v7x
topology: tpu7x:2x2x1
jax: 0.10.2.dev20260603
libtpu: 0.0.44.dev20260713+nightly
codegen_flags: <defaults>
</compile_context>

<pallas_src>
import functools

import jax
import jax.numpy as jnp
from jax import lax
from jax.experimental import pallas as pl
from jax.experimental.pallas import tpu as pltpu
from jax.experimental.pallas import tpu_sc as plsc

TOPK = 20
EPS = 1e-5
IDX_CHUNK = 128


def _sc_gather_build(rows_total, rpw, nch, n, nc):
    mesh = plsc.VectorSubcoreMesh(core_axis_name="c", subcore_axis_name="s")

    @functools.partial(
        pl.kernel,
        mesh=mesh,
        out_type=jax.ShapeDtypeStruct((rows_total, n), jnp.float32),
        scratch_types=[
            pltpu.VMEM((nch, IDX_CHUNK), jnp.int32),
            pltpu.VMEM((rpw, n), jnp.float32),
        ]
        + [pltpu.SemaphoreType.DMA],
    )
    def sc_gather(table_hbm, idx_hbm, out_hbm, idx_v, rows_v, sem):
        wid = lax.axis_index("s") * nc + lax.axis_index("c")
        pltpu.sync_copy(idx_hbm.at[wid], idx_v)
        copies = [
            pltpu.async_copy(
                table_hbm.at[idx_v.at[j]],
                rows_v.at[pl.ds(j * IDX_CHUNK, IDX_CHUNK)],
                sem,
            )
            for j in range(nch)
        ]
        for cp in copies:
            cp.wait()
        pltpu.sync_copy(rows_v, out_hbm.at[pl.ds(wid * rpw, rpw)])

    return sc_gather


def _tc_body(ev_ref, w1_ref, b1_ref, w2_ref, b2_ref, w3_ref, b3_ref,
             pw_ref, pb_ref, r_ref, out_ref, v_ref):
    step = pl.program_id(0)
    num_steps = pl.num_programs(0)
    gb = r_ref.shape[0]
    p_pairs = r_ref.shape[1] // 6

    for gi in range(gb):
        ev = ev_ref[gi]
        h1 = jnp.maximum(w1_ref[...] * ev + b1_ref[...], 0.0)
        h2 = lax.dot_general(w2_ref[...], h1, (((1,), (0,)), ((), ())),
                             preferred_element_type=jnp.float32)
        h2 = jnp.maximum(h2 + b2_ref[...], 0.0)
        g0 = lax.dot_general(w3_ref[...], h2, (((1,), (0,)), ((), ())),
                             preferred_element_type=jnp.float32)
        g0 = g0 + b3_ref[...]
        mu = jnp.mean(g0, axis=1, keepdims=True)
        var = jnp.mean((g0 - mu) ** 2, axis=1, keepdims=True)
        g = (g0 - mu) / jnp.sqrt(var + EPS)
        v = lax.dot_general(g, r_ref[gi], (((1,), (1,)), ((), ())),
                            preferred_element_type=jnp.float32)
        v_ref[pl.ds(step * gb + gi, 1), :] = v

    @pl.when(step == num_steps - 1)
    def _finish():
        vall = v_ref[:, :]
        bv = jnp.concatenate(
            [vall[:, c * p_pairs:(c + 1) * p_pairs] for c in range(3)], axis=0)
        dv = jnp.concatenate(
            [vall[:, (3 + c) * p_pairs:(4 + c) * p_pairs] for c in range(3)],
            axis=0)
        rows = bv.shape[0]
        p = jnp.abs(dv - bv)
        iota = lax.broadcasted_iota(jnp.int32, (rows, p_pairs), 1)

        pr = p
        for _ in range(TOPK):
            mx = jnp.max(pr, axis=1, keepdims=True)
            cand = jnp.where(pr == mx, iota, p_pairs)
            fi = jnp.min(cand, axis=1, keepdims=True)
            pr = jnp.where(iota == fi, -1.0, pr)
        msk = (pr < 0.0) & (p >= 0.0)
        mf = msk.astype(jnp.float32)
        pm = p * mf
        lg = jnp.log(1.0 + pm) * mf
        f0 = jnp.sum(pm, axis=1, keepdims=True)
        f1 = jnp.sum(bv * pm, axis=1, keepdims=True)
        f2 = jnp.sum(dv * pm, axis=1, keepdims=True)
        f3 = jnp.sum(bv * lg, axis=1, keepdims=True)
        f4 = jnp.sum(dv * lg, axis=1, keepdims=True)
        f5s = jnp.sum(jnp.exp(pm - 1.0) * (pm > 0).astype(jnp.float32) * mf,
                      axis=1, keepdims=True)
        f5 = jnp.log(jnp.exp(jnp.float32(-1.0)) + f5s) + 1.0
        feats = jnp.concatenate([f0, f1, f2, f3, f4, f5], axis=1)
        f3d = feats.reshape(3, num_steps * gb, 6)
        mu2 = jnp.mean(f3d, axis=1, keepdims=True)
        var2 = jnp.mean((f3d - mu2) ** 2, axis=1, keepdims=True)
        fn = (f3d - mu2) / jnp.sqrt(var2 + EPS)
        t = fn * pw_ref[...][:, None, :]
        s = jnp.sum(jnp.sum(t, axis=2, keepdims=True), axis=0)
        out_ref[:, :] = s + pb_ref[...]


def kernel(eigenvalues, eigenvectors_sq, W1, b1, W2, b2, W3, b3,
           proj_W, proj_b, birth_idx, death_idx):
    L, V, N = eigenvectors_sq.shape
    P = birth_idx.shape[-1]
    planes = W1.shape[1]
    groups = W2.shape[1]
    rows_total = L * 6 * P

    info = plsc.get_sparse_core_info()
    nc = info.num_cores
    nw = nc * info.num_subcores
    rpw = rows_total // nw
    nch = rpw // IDX_CHUNK

    all_idx = jnp.concatenate([birth_idx, death_idx], axis=1)
    goff = (jnp.arange(L, dtype=jnp.int32) * V)[:, None, None]
    idx_arr = (all_idx + goff).reshape(nw, nch, IDX_CHUNK)

    table = eigenvectors_sq.reshape(L * V, N)
    rows = _sc_gather_build(rows_total, rpw, nch, N, nc)(table, idx_arr)
    rows4 = rows.reshape(L, 6 * P, N)

    ev2 = eigenvalues[:, :, 0].reshape(L, 1, N)
    w1t = W1.T
    b1c = b1.reshape(planes, 1)
    w2t = W2.T
    b2c = b2.reshape(groups, 1)
    w3t = W3.T
    b3c = b3.reshape(1, 1)
    pw3 = proj_W.reshape(3, 6)
    pb2 = proj_b.reshape(1, 1)

    gb = 4
    return pl.pallas_call(
        _tc_body,
        grid=(L // gb,),
        in_specs=[
            pl.BlockSpec((gb, 1, N), lambda l: (l, 0, 0)),
            pl.BlockSpec((planes, 1), lambda l: (0, 0)),
            pl.BlockSpec((planes, 1), lambda l: (0, 0)),
            pl.BlockSpec((groups, planes), lambda l: (0, 0)),
            pl.BlockSpec((groups, 1), lambda l: (0, 0)),
            pl.BlockSpec((1, groups), lambda l: (0, 0)),
            pl.BlockSpec((1, 1), lambda l: (0, 0)),
            pl.BlockSpec((3, 6), lambda l: (0, 0)),
            pl.BlockSpec((1, 1), lambda l: (0, 0)),
            pl.BlockSpec((gb, 6 * P, N), lambda l: (l, 0, 0)),
        ],
        out_specs=pl.BlockSpec((L, 1), lambda l: (0, 0)),
        out_shape=jax.ShapeDtypeStruct((L, 1), jnp.float32),
        scratch_shapes=[pltpu.VMEM((L, 6 * P), jnp.float32)],
    )(ev2, w1t, b1c, w2t, b2c, w3t, b3c, pw3, pb2, rows4)

# --- scband reference (transcript-rebuilt; emitter-appended) ---
"""Pipeline reference for scband-model-stats-monotone-83348135346739 (READ-ONLY COPY).

The authoritative reference and input builder live on the scoring server;
editing this copy changes nothing except your own understanding.
"""

import jax, jax.numpy as jnp
import numpy as np

L = 16; V = 10000; N = 128; P = 256; TOPK = 20
PLANES = 30; GROUPS = 10


def setup_inputs(seed: int = 0) -> dict:
    key = jax.random.key(seed)
    ks = jax.random.split(key, 12)
    eigenvalues = jax.random.uniform(ks[0], (L, N, 1), dtype=jnp.float32)
    eigenvectors_sq = jax.random.uniform(ks[1], (L, V, N), dtype=jnp.float32)
    birth_idx = jax.random.randint(ks[2], (L, 3, P), 0, V, dtype=jnp.int32)
    death_idx = jax.random.randint(ks[3], (L, 3, P), 0, V, dtype=jnp.int32)
    W1 = jax.random.normal(ks[4], (1, PLANES), dtype=jnp.float32) * 0.5
    b1 = jnp.zeros((PLANES,), dtype=jnp.float32)
    W2 = jax.random.normal(ks[5], (PLANES, GROUPS), dtype=jnp.float32) * 0.2
    b2 = jnp.zeros((GROUPS,), dtype=jnp.float32)
    W3 = jax.random.normal(ks[6], (GROUPS, 1), dtype=jnp.float32) * 0.3
    b3 = jnp.zeros((1,), dtype=jnp.float32)
    proj_W = jax.random.normal(ks[7], (18, 1), dtype=jnp.float32) * 0.2
    proj_b = jnp.zeros((1,), dtype=jnp.float32)
    return {"eigenvalues": eigenvalues, "eigenvectors_sq": eigenvectors_sq,
            "W1": W1, "b1": b1, "W2": W2, "b2": b2, "W3": W3, "b3": b3,
            "proj_W": proj_W, "proj_b": proj_b,
            "birth_idx": birth_idx, "death_idx": death_idx}


def reference(eigenvalues, eigenvectors_sq, W1, b1, W2, b2, W3, b3, proj_W, proj_b, birth_idx, death_idx):
    eps = 1e-5
    # PiecewiseMonotonic.ffmp: Linear(1,planes) -> ReLU -> Linear(planes,groups) -> ReLU -> Linear(groups,1) -> BatchNorm1d(1, affine=False)
    h = jax.nn.relu(eigenvalues @ W1 + b1)
    h = jax.nn.relu(h @ W2 + b2)
    g = h @ W3 + b3  # [L, N, 1]
    mu = jnp.mean(g, axis=1, keepdims=True)
    var = jnp.var(g, axis=1, keepdims=True)
    g = (g - mu) / jnp.sqrt(var + eps)
    # f = eigenvectors_sq @ g  (flattened per graph) -> filtration values on vertices
    f = jnp.einsum('lvn,ln->lv', eigenvectors_sq, g[..., 0])  # [L, V]
    # persistence pairs are precomputed index constants (gudhi output); gather birth/death filtration values
    fb = jnp.broadcast_to(f[:, None, :], (L, 3, V))
    b = jnp.take_along_axis(fb, birth_idx, axis=2)  # [L, 3, P]
    d = jnp.take_along_axis(fb, death_idx, axis=2)  # [L, 3, P]
    # truncation: keep top max_num_intervals=20 pairs by persistence |d-b|
    p = jnp.abs(d - b)
    _, idx = jax.lax.top_k(p, TOPK)
    b_top = jnp.take_along_axis(b, idx, axis=2)
    d_top = jnp.take_along_axis(d, idx, axis=2)
    births = b_top.reshape(L * 3, TOPK)
    deaths = d_top.reshape(L * 3, TOPK)
    # DiagramStats
    pp = jnp.abs(deaths - births)
    logp = jnp.log1p(pp)
    f0 = jnp.sum(pp, axis=-1)
    f1 = jnp.sum(births * pp, axis=-1)
    f2 = jnp.sum(deaths * pp, axis=-1)
    f3 = jnp.sum(births * logp, axis=-1)
    f4 = jnp.sum(deaths * logp, axis=-1)
    f5 = jnp.log(jnp.exp(jnp.float32(-1.0)) + jnp.sum(jnp.exp(pp - 1.0) * (pp > 0), axis=-1)) + 1.0
    feats = jnp.stack([f0, f1, f2, f3, f4, f5], axis=-1).reshape(L, 18)
    # project: BatchNorm1d(18, affine=False) -> Linear(18, 1)
    mu2 = jnp.mean(feats, axis=0, keepdims=True)
    var2 = jnp.var(feats, axis=0, keepdims=True)
    feats_n = (feats - mu2) / jnp.sqrt(var2 + eps)
    return feats_n @ proj_W + proj_b

if __name__ == "__main__":
    import jax
    _d = setup_inputs()
    print(jax.jit(kernel)(*tuple(_d.values())))

</pallas_src>

<mosaic_0001>
#map = affine_map<(d0, d1) -> (0, 0)>
#map1 = affine_map<(d0, d1) -> (0, 0, 0)>
module attributes {stable_mosaic.version = 14 : i64} {
  func.func @sc_gather(%arg0: i32, %arg1: i32, %arg2: memref<160000x128xf32, #tpu.memory_space<hbm>>, %arg3: memref<32x6x128xi32, #tpu.memory_space<hbm>>, %arg4: memref<24576x128xf32, #tpu.memory_space<hbm>>, %arg5: memref<6x128xi32, #tpu.memory_space<vmem>>, %arg6: memref<768x128xf32, #tpu.memory_space<vmem>>, %arg7: memref<!tpu.dma_semaphore, #tpu.memory_space<semaphore_mem>>) attributes {dimension_semantics = [#tpu.dimension_semantics<core_parallel>, #tpu.dimension_semantics<subcore_parallel>], iteration_bounds = array<i64: 2, 16>, scalar_prefetch = 0 : i64, scratch_operands = 3 : i64, tpu.core_type = #tpu.core_type<sc_vector_subcore>, window_params = [{transform_indices = #map}, {transform_indices = #map1}, {transform_indices = #map}]} {
    %mul3A = arith.constant 2 : i32
    %mul3A_0 = arith.muli %arg1, %mul3A : i32
    %add3A = arith.addi %mul3A_0, %arg0 : i32
    "tpu.region"() ({
      %run_scoped3A = tpu.sem_alloc : memref<!tpu.dma_semaphore, #tpu.memory_space<semaphore_mem>>
      %dma_start3A_121 = arith.constant 0 : i32
      %dma_start3A_122 = arith.constant 0 : i32
      %dma_start3A_123 = tpu.memref_slice %arg3[%add3A, %dma_start3A_121, %dma_start3A_122] : memref<32x6x128xi32, #tpu.memory_space<hbm>> -> memref<1x6x128xi32, #tpu.memory_space<hbm>>
      %dma_start3A_124 = tpu.memref_squeeze %dma_start3A_123 : memref<1x6x128xi32, #tpu.memory_space<hbm>> -> memref<6x128xi32, #tpu.memory_space<hbm>>
      %dma_start3A_125 = arith.constant 0 : i32
      %dma_start3A_126 = arith.constant 0 : i32
      %dma_start3A_127 = tpu.memref_slice %arg3[%add3A, %dma_start3A_125, %dma_start3A_126] : memref<32x6x128xi32, #tpu.memory_space<hbm>> -> memref<1x6x128xi32, #tpu.memory_space<hbm>>
      %dma_start3A_128 = tpu.memref_squeeze %dma_start3A_127 : memref<1x6x128xi32, #tpu.memory_space<hbm>> -> memref<6x128xi32, #tpu.memory_space<hbm>>
      tpu.enqueue_dma source(%dma_start3A_128 : memref<6x128xi32, #tpu.memory_space<hbm>>) target(%arg5 : memref<6x128xi32, #tpu.memory_space<vmem>>) target_semaphore(%run_scoped3A : memref<!tpu.dma_semaphore, #tpu.memory_space<semaphore_mem>>)
      %dma_wait3A_129 = arith.constant 0 : i32
      %dma_wait3A_130 = arith.constant 0 : i32
      %dma_wait3A_131 = tpu.memref_slice %arg3[%add3A, %dma_wait3A_129, %dma_wait3A_130] : memref<32x6x128xi32, #tpu.memory_space<hbm>> -> memref<1x6x128xi32, #tpu.memory_space<hbm>>
      %dma_wait3A_132 = tpu.memref_squeeze %dma_wait3A_131 : memref<1x6x128xi32, #tpu.memory_space<hbm>> -> memref<6x128xi32, #tpu.memory_space<hbm>>
      %dma_wait3A_133 = arith.constant 0 : i32
      %dma_wait3A_134 = arith.constant 0 : i32
      %dma_wait3A_135 = tpu.memref_slice %arg3[%add3A, %dma_wait3A_133, %dma_wait3A_134] : memref<32x6x128xi32, #tpu.memory_space<hbm>> -> memref<1x6x128xi32, #tpu.memory_space<hbm>>
      %dma_wait3A_136 = tpu.memref_squeeze %dma_wait3A_135 : memref<1x6x128xi32, #tpu.memory_space<hbm>> -> memref<6x128xi32, #tpu.memory_space<hbm>>
      tpu.wait_dma2 semaphore(%run_scoped3A : memref<!tpu.dma_semaphore, #tpu.memory_space<semaphore_mem>>) src(%dma_wait3A_136 : memref<6x128xi32, #tpu.memory_space<hbm>>) dst(%arg5 : memref<6x128xi32, #tpu.memory_space<vmem>>)
      tpu.yield
    }) : () -> ()
    %dma_start3A = arith.constant 0 : i32
    %dma_start3A_1 = arith.constant 0 : i32
    %dma_start3A_2 = arith.constant 0 : i32
    %dma_start3A_3 = tpu.memref_slice %arg6[%dma_start3A_1, %dma_start3A_2] : memref<768x128xf32, #tpu.memory_space<vmem>> -> memref<128x128xf32, #tpu.memory_space<vmem>>
    %dma_start3A_4 = arith.constant 0 : i32
    %dma_start3A_5 = tpu.memref_slice %arg5[%dma_start3A, %dma_start3A_4] : memref<6x128xi32, #tpu.memory_space<vmem>> -> memref<1x128xi32, #tpu.memory_space<vmem>>
    %dma_start3A_6 = tpu.memref_squeeze %dma_start3A_5 : memref<1x128xi32, #tpu.memory_space<vmem>> -> memref<128xi32, #tpu.memory_space<vmem>>
    %dma_start3A_7 = arith.constant 0 : i32
    %dma_start3A_8 = arith.constant 0 : i32
    %dma_start3A_9 = tpu.memref_slice %arg2[%dma_start3A_7, %dma_start3A_8] : memref<160000x128xf32, #tpu.memory_space<hbm>> -> memref<160000x128xf32, #tpu.memory_space<hbm>>
    tpu.enqueue_indirect_dma source(%dma_start3A_9 : memref<160000x128xf32, #tpu.memory_space<hbm>>) target(%dma_start3A_3 : memref<128x128xf32, #tpu.memory_space<vmem>>) offsets(%dma_start3A_6 : memref<128xi32, #tpu.memory_space<vmem>>) semaphore(%arg7 : memref<!tpu.dma_semaphore, #tpu.memory_space<semaphore_mem>>)
    %dma_start3A_10 = arith.constant 1 : i32
    %dma_start3A_11 = arith.constant 128 : i32
    %dma_start3A_12 = arith.constant 0 : i32
    %dma_start3A_13 = tpu.memref_slice %arg6[%dma_start3A_11, %dma_start3A_12] : memref<768x128xf32, #tpu.memory_space<vmem>> -> memref<128x128xf32, #tpu.memory_space<vmem>>
    %dma_start3A_14 = arith.constant 0 : i32
    %dma_start3A_15 = tpu.memref_slice %arg5[%dma_start3A_10, %dma_start3A_14] : memref<6x128xi32, #tpu.memory_space<vmem>> -> memref<1x128xi32, #tpu.memory_space<vmem>>
    %dma_start3A_16 = tpu.memref_squeeze %dma_start3A_15 : memref<1x128xi32, #tpu.memory_space<vmem>> -> memref<128xi32, #tpu.memory_space<vmem>>
    %dma_start3A_17 = arith.constant 0 : i32
    %dma_start3A_18 = arith.constant 0 : i32
    %dma_start3A_19 = tpu.memref_slice %arg2[%dma_start3A_17, %dma_start3A_18] : memref<160000x128xf32, #tpu.memory_space<hbm>> -> memref<160000x128xf32, #tpu.memory_space<hbm>>
    tpu.enqueue_indirect_dma source(%dma_start3A_19 : memref<160000x128xf32, #tpu.memory_space<hbm>>) target(%dma_start3A_13 : memref<128x128xf32, #tpu.memory_space<vmem>>) offsets(%dma_start3A_16 : memref<128xi32, #tpu.memory_space<vmem>>) semaphore(%arg7 : memref<!tpu.dma_semaphore, #tpu.memory_space<semaphore_mem>>)
    %dma_start3A_20 = arith.constant 2 : i32
    %dma_start3A_21 = arith.constant 256 : i32
    %dma_start3A_22 = arith.constant 0 : i32
    %dma_start3A_23 = tpu.memref_slice %arg6[%dma_start3A_21, %dma_start3A_22] : memref<768x128xf32, #tpu.memory_space<vmem>> -> memref<128x128xf32, #tpu.memory_space<vmem>>
    %dma_start3A_24 = arith.constant 0 : i32
    %dma_start3A_25 = tpu.memref_slice %arg5[%dma_start3A_20, %dma_start3A_24] : memref<6x128xi32, #tpu.memory_space<vmem>> -> memref<1x128xi32, #tpu.memory_space<vmem>>
    %dma_start3A_26 = tpu.memref_squeeze %dma_start3A_25 : memref<1x128xi32, #tpu.memory_space<vmem>> -> memref<128xi32, #tpu.memory_space<vmem>>
    %dma_start3A_27 = arith.constant 0 : i32
    %dma_start3A_28 = arith.constant 0 : i32
    %dma_start3A_29 = tpu.memref_slice %arg2[%dma_start3A_27, %dma_start3A_28] : memref<160000x128xf32, #tpu.memory_space<hbm>> -> memref<160000x128xf32, #tpu.memory_space<hbm>>
    tpu.enqueue_indirect_dma source(%dma_start3A_29 : memref<160000x128xf32, #tpu.memory_space<hbm>>) target(%dma_start3A_23 : memref<128x128xf32, #tpu.memory_space<vmem>>) offsets(%dma_start3A_26 : memref<128xi32, #tpu.memory_space<vmem>>) semaphore(%arg7 : memref<!tpu.dma_semaphore, #tpu.memory_space<semaphore_mem>>)
    %dma_start3A_30 = arith.constant 3 : i32
    %dma_start3A_31 = arith.constant 384 : i32
    %dma_start3A_32 = arith.constant 0 : i32
    %dma_start3A_33 = tpu.memref_slice %arg6[%dma_start3A_31, %dma_start3A_32] : memref<768x128xf32, #tpu.memory_space<vmem>> -> memref<128x128xf32, #tpu.memory_space<vmem>>
    %dma_start3A_34 = arith.constant 0 : i32
    %dma_start3A_35 = tpu.memref_slice %arg5[%dma_start3A_30, %dma_start3A_34] : memref<6x128xi32, #tpu.memory_space<vmem>> -> memref<1x128xi32, #tpu.memory_space<vmem>>
    %dma_start3A_36 = tpu.memref_squeeze %dma_start3A_35 : memref<1x128xi32, #tpu.memory_space<vmem>> -> memref<128xi32, #tpu.memory_space<vmem>>
    %dma_start3A_37 = arith.constant 0 : i32
    %dma_start3A_38 = arith.constant 0 : i32
    %dma_start3A_39 = tpu.memref_slice %arg2[%dma_start3A_37, %dma_start3A_38] : memref<160000x128xf32, #tpu.memory_space<hbm>> -> memref<160000x128xf32, #tpu.memory_space<hbm>>
    tpu.enqueue_indirect_dma source(%dma_start3A_39 : memref<160000x128xf32, #tpu.memory_space<hbm>>) target(%dma_start3A_33 : memref<128x128xf32, #tpu.memory_space<vmem>>) offsets(%dma_start3A_36 : memref<128xi32, #tpu.memory_space<vmem>>) semaphore(%arg7 : memref<!tpu.dma_semaphore, #tpu.memory_space<semaphore_mem>>)
    %dma_start3A_40 = arith.constant 4 : i32
    %dma_start3A_41 = arith.constant 512 : i32
    %dma_start3A_42 = arith.constant 0 : i32
    %dma_start3A_43 = tpu.memref_slice %arg6[%dma_start3A_41, %dma_start3A_42] : memref<768x128xf32, #tpu.memory_space<vmem>> -> memref<128x128xf32, #tpu.memory_space<vmem>>
    %dma_start3A_44 = arith.constant 0 : i32
    %dma_start3A_45 = tpu.memref_slice %arg5[%dma_start3A_40, %dma_start3A_44] : memref<6x128xi32, #tpu.memory_space<vmem>> -> memref<1x128xi32, #tpu.memory_space<vmem>>
    %dma_start3A_46 = tpu.memref_squeeze %dma_start3A_45 : memref<1x128xi32, #tpu.memory_space<vmem>> -> memref<128xi32, #tpu.memory_space<vmem>>
    %dma_start3A_47 = arith.constant 0 : i32
    %dma_start3A_48 = arith.constant 0 : i32
    %dma_start3A_49 = tpu.memref_slice %arg2[%dma_start3A_47, %dma_start3A_48] : memref<160000x128xf32, #tpu.memory_space<hbm>> -> memref<160000x128xf32, #tpu.memory_space<hbm>>
    tpu.enqueue_indirect_dma source(%dma_start3A_49 : memref<160000x128xf32, #tpu.memory_space<hbm>>) target(%dma_start3A_43 : memref<128x128xf32, #tpu.memory_space<vmem>>) offsets(%dma_start3A_46 : memref<128xi32, #tpu.memory_space<vmem>>) semaphore(%arg7 : memref<!tpu.dma_semaphore, #tpu.memory_space<semaphore_mem>>)
    %dma_start3A_50 = arith.constant 5 : i32
    %dma_start3A_51 = arith.constant 640 : i32
    %dma_start3A_52 = arith.constant 0 : i32
    %dma_start3A_53 = tpu.memref_slice %arg6[%dma_start3A_51, %dma_start3A_52] : memref<768x128xf32, #tpu.memory_space<vmem>> -> memref<128x128xf32, #tpu.memory_space<vmem>>
    %dma_start3A_54 = arith.constant 0 : i32
    %dma_start3A_55 = tpu.memref_slice %arg5[%dma_start3A_50, %dma_start3A_54] : memref<6x128xi32, #tpu.memory_space<vmem>> -> memref<1x128xi32, #tpu.memory_space<vmem>>
    %dma_start3A_56 = tpu.memref_squeeze %dma_start3A_55 : memref<1x128xi32, #tpu.memory_space<vmem>> -> memref<128xi32, #tpu.memory_space<vmem>>
    %dma_start3A_57 = arith.constant 0 : i32
    %dma_start3A_58 = arith.constant 0 : i32
    %dma_start3A_59 = tpu.memref_slice %arg2[%dma_start3A_57, %dma_start3A_58] : memref<160000x128xf32, #tpu.memory_space<hbm>> -> memref<160000x128xf32, #tpu.memory_space<hbm>>
    tpu.enqueue_indirect_dma source(%dma_start3A_59 : memref<160000x128xf32, #tpu.memory_space<hbm>>) target(%dma_start3A_53 : memref<128x128xf32, #tpu.memory_space<vmem>>) offsets(%dma_start3A_56 : memref<128xi32, #tpu.memory_space<vmem>>) semaphore(%arg7 : memref<!tpu.dma_semaphore, #tpu.memory_space<semaphore_mem>>)
    %dma_wait3A = arith.constant 0 : i32
    %dma_wait3A_60 = arith.constant 0 : i32
    %dma_wait3A_61 = arith.constant 0 : i32
    %dma_wait3A_62 = tpu.memref_slice %arg6[%dma_wait3A_60, %dma_wait3A_61] : memref<768x128xf32, #tpu.memory_space<vmem>> -> memref<128x128xf32, #tpu.memory_space<vmem>>
    %dma_wait3A_63 = arith.constant 0 : i32
    %dma_wait3A_64 = tpu.memref_slice %arg5[%dma_wait3A, %dma_wait3A_63] : memref<6x128xi32, #tpu.memory_space<vmem>> -> memref<1x128xi32, #tpu.memory_space<vmem>>
    %dma_wait3A_65 = tpu.memref_squeeze %dma_wait3A_64 : memref<1x128xi32, #tpu.memory_space<vmem>> -> memref<128xi32, #tpu.memory_space<vmem>>
    %dma_wait3A_66 = arith.constant 0 : i32
    %dma_wait3A_67 = arith.constant 0 : i32
    %dma_wait3A_68 = tpu.memref_slice %arg2[%dma_wait3A_66, %dma_wait3A_67] : memref<160000x128xf32, #tpu.memory_space<hbm>> -> memref<160000x128xf32, #tpu.memory_space<hbm>>
    tpu.wait_indirect_dma semaphore(%arg7 : memref<!tpu.dma_semaphore, #tpu.memory_space<semaphore_mem>>) src(%dma_wait3A_68 : memref<160000x128xf32, #tpu.memory_space<hbm>>) dst(%dma_wait3A_62 : memref<128x128xf32, #tpu.memory_space<vmem>>)
    %dma_wait3A_69 = arith.constant 1 : i32
    %dma_wait3A_70 = arith.constant 128 : i32
    %dma_wait3A_71 = arith.constant 0 : i32
    %dma_wait3A_72 = tpu.memref_slice %arg6[%dma_wait3A_70, %dma_wait3A_71] : memref<768x128xf32, #tpu.memory_space<vmem>> -> memref<128x128xf32, #tpu.memory_space<vmem>>
    %dma_wait3A_73 = arith.constant 0 : i32
    %dma_wait3A_74 = tpu.memref_slice %arg5[%dma_wait3A_69, %dma_wait3A_73] : memref<6x128xi32, #tpu.memory_space<vmem>> -> memref<1x128xi32, #tpu.memory_space<vmem>>
    %dma_wait3A_75 = tpu.memref_squeeze %dma_wait3A_74 : memref<1x128xi32, #tpu.memory_space<vmem>> -> memref<128xi32, #tpu.memory_space<vmem>>
    %dma_wait3A_76 = arith.constant 0 : i32
    %dma_wait3A_77 = arith.constant 0 : i32
    %dma_wait3A_78 = tpu.memref_slice %arg2[%dma_wait3A_76, %dma_wait3A_77] : memref<160000x128xf32, #tpu.memory_space<hbm>> -> memref<160000x128xf32, #tpu.memory_space<hbm>>
    tpu.wait_indirect_dma semaphore(%arg7 : memref<!tpu.dma_semaphore, #tpu.memory_space<semaphore_mem>>) src(%dma_wait3A_78 : memref<160000x128xf32, #tpu.memory_space<hbm>>) dst(%dma_wait3A_72 : memref<128x128xf32, #tpu.memory_space<vmem>>)
    %dma_wait3A_79 = arith.constant 2 : i32
    %dma_wait3A_80 = arith.constant 256 : i32
    %dma_wait3A_81 = arith.constant 0 : i32
    %dma_wait3A_82 = tpu.memref_slice %arg6[%dma_wait3A_80, %dma_wait3A_81] : memref<768x128xf32, #tpu.memory_space<vmem>> -> memref<128x128xf32, #tpu.memory_space<vmem>>
    %dma_wait3A_83 = arith.constant 0 : i32
    %dma_wait3A_84 = tpu.memref_slice %arg5[%dma_wait3A_79, %dma_wait3A_83] : memref<6x128xi32, #tpu.memory_space<vmem>> -> memref<1x128xi32, #tpu.memory_space<vmem>>
    %dma_wait3A_85 = tpu.memref_squeeze %dma_wait3A_84 : memref<1x128xi32, #tpu.memory_space<vmem>> -> memref<128xi32, #tpu.memory_space<vmem>>
    %dma_wait3A_86 = arith.constant 0 : i32
    %dma_wait3A_87 = arith.constant 0 : i32
    %dma_wait3A_88 = tpu.memref_slice %arg2[%dma_wait3A_86, %dma_wait3A_87] : memref<160000x128xf32, #tpu.memory_space<hbm>> -> memref<160000x128xf32, #tpu.memory_space<hbm>>
    tpu.wait_indirect_dma semaphore(%arg7 : memref<!tpu.dma_semaphore, #tpu.memory_space<semaphore_mem>>) src(%dma_wait3A_88 : memref<160000x128xf32, #tpu.memory_space<hbm>>) dst(%dma_wait3A_82 : memref<128x128xf32, #tpu.memory_space<vmem>>)
    %dma_wait3A_89 = arith.constant 3 : i32
    %dma_wait3A_90 = arith.constant 384 : i32
    %dma_wait3A_91 = arith.constant 0 : i32
    %dma_wait3A_92 = tpu.memref_slice %arg6[%dma_wait3A_90, %dma_wait3A_91] : memref<768x128xf32, #tpu.memory_space<vmem>> -> memref<128x128xf32, #tpu.memory_space<vmem>>
    %dma_wait3A_93 = arith.constant 0 : i32
    %dma_wait3A_94 = tpu.memref_slice %arg5[%dma_wait3A_89, %dma_wait3A_93] : memref<6x128xi32, #tpu.memory_space<vmem>> -> memref<1x128xi32, #tpu.memory_space<vmem>>
    %dma_wait3A_95 = tpu.memref_squeeze %dma_wait3A_94 : memref<1x128xi32, #tpu.memory_space<vmem>> -> memref<128xi32, #tpu.memory_space<vmem>>
    %dma_wait3A_96 = arith.constant 0 : i32
    %dma_wait3A_97 = arith.constant 0 : i32
    %dma_wait3A_98 = tpu.memref_slice %arg2[%dma_wait3A_96, %dma_wait3A_97] : memref<160000x128xf32, #tpu.memory_space<hbm>> -> memref<160000x128xf32, #tpu.memory_space<hbm>>
    tpu.wait_indirect_dma semaphore(%arg7 : memref<!tpu.dma_semaphore, #tpu.memory_space<semaphore_mem>>) src(%dma_wait3A_98 : memref<160000x128xf32, #tpu.memory_space<hbm>>) dst(%dma_wait3A_92 : memref<128x128xf32, #tpu.memory_space<vmem>>)
    %dma_wait3A_99 = arith.constant 4 : i32
    %dma_wait3A_100 = arith.constant 512 : i32
    %dma_wait3A_101 = arith.constant 0 : i32
    %dma_wait3A_102 = tpu.memref_slice %arg6[%dma_wait3A_100, %dma_wait3A_101] : memref<768x128xf32, #tpu.memory_space<vmem>> -> memref<128x128xf32, #tpu.memory_space<vmem>>
    %dma_wait3A_103 = arith.constant 0 : i32
    %dma_wait3A_104 = tpu.memref_slice %arg5[%dma_wait3A_99, %dma_wait3A_103] : memref<6x128xi32, #tpu.memory_space<vmem>> -> memref<1x128xi32, #tpu.memory_space<vmem>>
    %dma_wait3A_105 = tpu.memref_squeeze %dma_wait3A_104 : memref<1x128xi32, #tpu.memory_space<vmem>> -> memref<128xi32, #tpu.memory_space<vmem>>
    %dma_wait3A_106 = arith.constant 0 : i32
    %dma_wait3A_107 = arith.constant 0 : i32
    %dma_wait3A_108 = tpu.memref_slice %arg2[%dma_wait3A_106, %dma_wait3A_107] : memref<160000x128xf32, #tpu.memory_space<hbm>> -> memref<160000x128xf32, #tpu.memory_space<hbm>>
    tpu.wait_indirect_dma semaphore(%arg7 : memref<!tpu.dma_semaphore, #tpu.memory_space<semaphore_mem>>) src(%dma_wait3A_108 : memref<160000x128xf32, #tpu.memory_space<hbm>>) dst(%dma_wait3A_102 : memref<128x128xf32, #tpu.memory_space<vmem>>)
    %dma_wait3A_109 = arith.constant 5 : i32
    %dma_wait3A_110 = arith.constant 640 : i32
    %dma_wait3A_111 = arith.constant 0 : i32
    %dma_wait3A_112 = tpu.memref_slice %arg6[%dma_wait3A_110, %dma_wait3A_111] : memref<768x128xf32, #tpu.memory_space<vmem>> -> memref<128x128xf32, #tpu.memory_space<vmem>>
    %dma_wait3A_113 = arith.constant 0 : i32
    %dma_wait3A_114 = tpu.memref_slice %arg5[%dma_wait3A_109, %dma_wait3A_113] : memref<6x128xi32, #tpu.memory_space<vmem>> -> memref<1x128xi32, #tpu.memory_space<vmem>>
    %dma_wait3A_115 = tpu.memref_squeeze %dma_wait3A_114 : memref<1x128xi32, #tpu.memory_space<vmem>> -> memref<128xi32, #tpu.memory_space<vmem>>
    %dma_wait3A_116 = arith.constant 0 : i32
    %dma_wait3A_117 = arith.constant 0 : i32
    %dma_wait3A_118 = tpu.memref_slice %arg2[%dma_wait3A_116, %dma_wait3A_117] : memref<160000x128xf32, #tpu.memory_space<hbm>> -> memref<160000x128xf32, #tpu.memory_space<hbm>>
    tpu.wait_indirect_dma semaphore(%arg7 : memref<!tpu.dma_semaphore, #tpu.memory_space<semaphore_mem>>) src(%dma_wait3A_118 : memref<160000x128xf32, #tpu.memory_space<hbm>>) dst(%dma_wait3A_112 : memref<128x128xf32, #tpu.memory_space<vmem>>)
    %mul3A_119 = arith.constant 768 : i32
    %mul3A_120 = arith.muli %add3A, %mul3A_119 : i32
    "tpu.region"() ({
      %run_scoped3A = tpu.sem_alloc : memref<!tpu.dma_semaphore, #tpu.memory_space<semaphore_mem>>
      %dma_start3A_121 = arith.constant 0 : i32
      %dma_start3A_122 = tpu.memref_slice %arg4[%mul3A_120, %dma_start3A_121] : memref<24576x128xf32, #tpu.memory_space<hbm>> -> memref<768x128xf32, #tpu.memory_space<hbm>>
      %dma_start3A_123 = arith.constant 0 : i32
      %dma_start3A_124 = tpu.memref_slice %arg4[%mul3A_120, %dma_start3A_123] : memref<24576x128xf32, #tpu.memory_space<hbm>> -> memref<768x128xf32, #tpu.memory_space<hbm>>
      tpu.enqueue_dma source(%arg6 : memref<768x128xf32, #tpu.memory_space<vmem>>) target(%dma_start3A_124 : memref<768x128xf32, #tpu.memory_space<hbm>>) target_semaphore(%run_scoped3A : memref<!tpu.dma_semaphore, #tpu.memory_space<semaphore_mem>>)
      %dma_wait3A_125 = arith.constant 0 : i32
      %dma_wait3A_126 = tpu.memref_slice %arg4[%mul3A_120, %dma_wait3A_125] : memref<24576x128xf32, #tpu.memory_space<hbm>> -> memref<768x128xf32, #tpu.memory_space<hbm>>
      %dma_wait3A_127 = arith.constant 0 : i32
      %dma_wait3A_128 = tpu.memref_slice %arg4[%mul3A_120, %dma_wait3A_127] : memref<24576x128xf32, #tpu.memory_space<hbm>> -> memref<768x128xf32, #tpu.memory_space<hbm>>
      tpu.wait_dma2 semaphore(%run_scoped3A : memref<!tpu.dma_semaphore, #tpu.memory_space<semaphore_mem>>) src(%arg6 : memref<768x128xf32, #tpu.memory_space<vmem>>) dst(%dma_wait3A_128 : memref<768x128xf32, #tpu.memory_space<hbm>>)
      tpu.yield
    }) : () -> ()
    return
  }
}

module attributes {stable_mosaic.version = 14 : i64} {
  func.func @_tc_body(%arg0: i32, %arg1: memref<4x1x128xf32, #tpu.memory_space<vmem>>, %arg2: memref<30x1xf32, #tpu.memory_space<vmem>>, %arg3: memref<30x1xf32, #tpu.memory_space<vmem>>, %arg4: memref<10x30xf32, #tpu.memory_space<vmem>>, %arg5: memref<10x1xf32, #tpu.memory_space<vmem>>, %arg6: memref<1x10xf32, #tpu.memory_space<vmem>>, %arg7: memref<1x1xf32, #tpu.memory_space<vmem>>, %arg8: memref<3x6xf32, #tpu.memory_space<vmem>>, %arg9: memref<1x1xf32, #tpu.memory_space<vmem>>, %arg10: memref<4x1536x128xf32, #tpu.memory_space<vmem>>, %arg11: memref<16x1xf32, #tpu.memory_space<vmem>>, %arg12: memref<16x1536xf32, #tpu.memory_space<vmem>>) attributes {dimension_semantics = [#tpu.dimension_semantics<arbitrary>], iteration_bounds = array<i64: 4>, scalar_prefetch = 0 : i64, scratch_operands = 1 : i64, tpu.core_type = #tpu.core_type<tc>, window_params = [{transform_indices = @transform_0, window_bounds = array<i64: 4, 1, 128>}, {pipeline_mode = #tpu.pipeline_mode<synchronous>, transform_indices = @transform_1, window_bounds = array<i64: 30, 1>}, {pipeline_mode = #tpu.pipeline_mode<synchronous>, transform_indices = @transform_2, window_bounds = array<i64: 30, 1>}, {pipeline_mode = #tpu.pipeline_mode<synchronous>, transform_indices = @transform_3, window_bounds = array<i64: 10, 30>}, {pipeline_mode = #tpu.pipeline_mode<synchronous>, transform_indices = @transform_4, window_bounds = array<i64: 10, 1>}, {pipeline_mode = #tpu.pipeline_mode<synchronous>, transform_indices = @transform_5, window_bounds = array<i64: 1, 10>}, {pipeline_mode = #tpu.pipeline_mode<synchronous>, transform_indices = @transform_6, window_bounds = array<i64: 1, 1>}, {pipeline_mode = #tpu.pipeline_mode<synchronous>, transform_indices = @transform_7, window_bounds = array<i64: 3, 6>}, {pipeline_mode = #tpu.pipeline_mode<synchronous>, transform_indices = @transform_8, window_bounds = array<i64: 1, 1>}, {transform_indices = @transform_9, window_bounds = array<i64: 4, 1536, 128>}, {pipeline_mode = #tpu.pipeline_mode<synchronous>, transform_indices = @transform_10, window_bounds = array<i64: 16, 1>}]} {
    %get3A = arith.constant 0 : index
    %get3A_0 = arith.constant 0 : index
    %get3A_1 = arith.constant 0 : index
    %get3A_2 = vector.load %arg1[%get3A, %get3A_0, %get3A_1] : memref<4x1x128xf32, #tpu.memory_space<vmem>>, vector<1x1x128xf32>
    %get3A_3 = vector.shape_cast %get3A_2 : vector<1x1x128xf32> to vector<1x128xf32>
    %get3A_4 = arith.constant 0 : index
    %get3A_5 = arith.constant 0 : index
    %get3A_6 = vector.load %arg2[%get3A_4, %get3A_5] : memref<30x1xf32, #tpu.memory_space<vmem>>, vector<30x1xf32>
    %mul3A = vector.broadcast %get3A_6 : vector<30x1xf32> to vector<30x128xf32>
    %mul3A_7 = vector.broadcast %get3A_3 : vector<1x128xf32> to vector<30x128xf32>
    %mul3A_8 = arith.mulf %mul3A, %mul3A_7 : vector<30x128xf32>
    %get3A_9 = arith.constant 0 : index
    %get3A_10 = arith.constant 0 : index
    %get3A_11 = vector.load %arg3[%get3A_9, %get3A_10] : memref<30x1xf32, #tpu.memory_space<vmem>>, vector<30x1xf32>
    %add3A = vector.broadcast %get3A_11 : vector<30x1xf32> to vector<30x128xf32>
    %add3A_12 = arith.addf %mul3A_8, %add3A : vector<30x128xf32>
    %max3A = arith.constant 0.000000e+00 : f32
    %max3A_13 = vector.broadcast %max3A : f32 to vector<30x128xf32>
    %max3A_14 = arith.maximumf %add3A_12, %max3A_13 : vector<30x128xf32>
    %get3A_15 = arith.constant 0 : index
    %get3A_16 = arith.constant 0 : index
    %get3A_17 = vector.load %arg4[%get3A_15, %get3A_16] : memref<10x30xf32, #tpu.memory_space<vmem>>, vector<10x30xf32>
    %dot_general3A = arith.constant dense<0.000000e+00> : vector<10x128xf32>
    %dot_general3A_18 = tpu.matmul %get3A_17, %max3A_14, %dot_general3A {dimension_numbers = #tpu.dot_dimension_numbers<[1], [0], [0], [1], [0, 0, 1, 1], [], []>, transpose_lhs_hint = false} : vector<10x30xf32>, vector<30x128xf32>, vector<10x128xf32> -> vector<10x128xf32>
    %get3A_19 = arith.constant 0 : index
    %get3A_20 = arith.constant 0 : index
    %get3A_21 = vector.load %arg5[%get3A_19, %get3A_20] : memref<10x1xf32, #tpu.memory_space<vmem>>, vector<10x1xf32>
    %add3A_22 = vector.broadcast %get3A_21 : vector<10x1xf32> to vector<10x128xf32>
    %add3A_23 = arith.addf %dot_general3A_18, %add3A_22 : vector<10x128xf32>
    %max3A_24 = arith.constant 0.000000e+00 : f32
    %max3A_25 = vector.broadcast %max3A_24 : f32 to vector<10x128xf32>
    %max3A_26 = arith.maximumf %add3A_23, %max3A_25 : vector<10x128xf32>
    %get3A_27 = arith.constant 0 : index
    %get3A_28 = arith.constant 0 : index
    %get3A_29 = vector.load %arg6[%get3A_27, %get3A_28] : memref<1x10xf32, #tpu.memory_space<vmem>>, vector<1x10xf32>
    %dot_general3A_30 = arith.constant dense<0.000000e+00> : vector<1x128xf32>
    %dot_general3A_31 = tpu.matmul %get3A_29, %max3A_26, %dot_general3A_30 {dimension_numbers = #tpu.dot_dimension_numbers<[1], [0], [0], [1], [0, 0, 1, 1], [], []>, transpose_lhs_hint = false} : vector<1x10xf32>, vector<10x128xf32>, vector<1x128xf32> -> vector<1x128xf32>
    %get3A_32 = arith.constant 0 : index
    %get3A_33 = arith.constant 0 : index
    %get3A_34 = vector.load %arg7[%get3A_32, %get3A_33] : memref<1x1xf32, #tpu.memory_space<vmem>>, vector<1x1xf32>
    %add3A_35 = vector.broadcast %get3A_34 : vector<1x1xf32> to vector<1x128xf32>
    %add3A_36 = arith.addf %dot_general3A_31, %add3A_35 : vector<1x128xf32>
    %reduce_sum3A = arith.constant dense<0.000000e+00> : vector<1xf32>
    %reduce_sum3A_37 = vector.multi_reduction <add>, %add3A_36, %reduce_sum3A [1] : vector<1x128xf32> to vector<1xf32>
    %broadcast_in_dim3A = vector.shape_cast %reduce_sum3A_37 : vector<1xf32> to vector<1x1xf32>
    %div3A = arith.constant 1.280000e+02 : f32
    %div3A_38 = vector.broadcast %div3A : f32 to vector<1x1xf32>
    %div3A_39 = arith.divf %broadcast_in_dim3A, %div3A_38 : vector<1x1xf32>
    %sub3A = vector.broadcast %div3A_39 : vector<1x1xf32> to vector<1x128xf32>
    %sub3A_40 = arith.subf %add3A_36, %sub3A : vector<1x128xf32>
    %integer_pow3A = arith.mulf %sub3A_40, %sub3A_40 : vector<1x128xf32>
    %reduce_sum3A_41 = arith.constant dense<0.000000e+00> : vector<1xf32>
    %reduce_sum3A_42 = vector.multi_reduction <add>, %integer_pow3A, %reduce_sum3A_41 [1] : vector<1x128xf32> to vector<1xf32>
    %broadcast_in_dim3A_43 = vector.shape_cast %reduce_sum3A_42 : vector<1xf32> to vector<1x1xf32>
    %div3A_44 = arith.constant 1.280000e+02 : f32
    %div3A_45 = vector.broadcast %div3A_44 : f32 to vector<1x1xf32>
    %div3A_46 = arith.divf %broadcast_in_dim3A_43, %div3A_45 : vector<1x1xf32>
    %sub3A_47 = vector.broadcast %div3A_39 : vector<1x1xf32> to vector<1x128xf32>
    %sub3A_48 = arith.subf %add3A_36, %sub3A_47 : vector<1x128xf32>
    %add3A_49 = arith.constant 9.99999974E-6 : f32
    %add3A_50 = vector.broadcast %add3A_49 : f32 to vector<1x1xf32>
    %add3A_51 = arith.addf %div3A_46, %add3A_50 : vector<1x1xf32>
    %sqrt3A = math.sqrt %add3A_51 : vector<1x1xf32>
    %div3A_52 = vector.broadcast %sqrt3A : vector<1x1xf32> to vector<1x128xf32>
    %div3A_53 = arith.divf %sub3A_48, %div3A_52 : vector<1x128xf32>
    %get3A_54 = arith.constant 0 : index
    %get3A_55 = arith.constant 0 : index
    %get3A_56 = arith.constant 0 : index
    %get3A_57 = vector.load %arg10[%get3A_54, %get3A_55, %get3A_56] : memref<4x1536x128xf32, #tpu.memory_space<vmem>>, vector<1x1536x128xf32>
    %get3A_58 = vector.shape_cast %get3A_57 : vector<1x1536x128xf32> to vector<1536x128xf32>
    %dot_general3A_59 = arith.constant dense<0.000000e+00> : vector<1x1536xf32>
    %dot_general3A_60 = tpu.matmul %div3A_53, %get3A_58, %dot_general3A_59 {dimension_numbers = #tpu.dot_dimension_numbers<[1], [1], [0], [0], [0, 0, 1, 0], [], []>, transpose_lhs_hint = false} : vector<1x128xf32>, vector<1536x128xf32>, vector<1x1536xf32> -> vector<1x1536xf32>
    %mul3A_61 = arith.constant 4 : i32
    %mul3A_62 = arith.muli %arg0, %mul3A_61 : i32
    %add3A_63 = arith.constant 0 : i32
    %add3A_64 = arith.addi %mul3A_62, %add3A_63 : i32
    %swap3A = arith.index_cast %add3A_64 : i32 to index
    %swap3A_65 = arith.constant 0 : index
    %swap3A_66 = vector.load %arg12[%swap3A, %swap3A_65] : memref<16x1536xf32, #tpu.memory_space<vmem>>, vector<1x1536xf32>
    tpu.vector_store %arg12[%swap3A, %swap3A_65], %dot_general3A_60 {strides = array<i32>} : memref<16x1536xf32, #tpu.memory_space<vmem>>, vector<1x1536xf32>,
    %get3A_67 = arith.constant 1 : index
    %get3A_68 = arith.constant 0 : index
    %get3A_69 = arith.constant 0 : index
    %get3A_70 = vector.load %arg1[%get3A_67, %get3A_68, %get3A_69] : memref<4x1x128xf32, #tpu.memory_space<vmem>>, vector<1x1x128xf32>
    %get3A_71 = vector.shape_cast %get3A_70 : vector<1x1x128xf32> to vector<1x128xf32>
    %get3A_72 = arith.constant 0 : index
    %get3A_73 = arith.constant 0 : index
    %get3A_74 = vector.load %arg2[%get3A_72, %get3A_73] : memref<30x1xf32, #tpu.memory_space<vmem>>, vector<30x1xf32>
    %mul3A_75 = vector.broadcast %get3A_74 : vector<30x1xf32> to vector<30x128xf32>
    %mul3A_76 = vector.broadcast %get3A_71 : vector<1x128xf32> to vector<30x128xf32>
    %mul3A_77 = arith.mulf %mul3A_75, %mul3A_76 : vector<30x128xf32>
    %get3A_78 = arith.constant 0 : index
    %get3A_79 = arith.constant 0 : index
    %get3A_80 = vector.load %arg3[%get3A_78, %get3A_79] : memref<30x1xf32, #tpu.memory_space<vmem>>, vector<30x1xf32>
    %add3A_81 = vector.broadcast %get3A_80 : vector<30x1xf32> to vector<30x128xf32>
    %add3A_82 = arith.addf %mul3A_77, %add3A_81 : vector<30x128xf32>
    %max3A_83 = arith.constant 0.000000e+00 : f32
    %max3A_84 = vector.broadcast %max3A_83 : f32 to vector<30x128xf32>
    %max3A_85 = arith.maximumf %add3A_82, %max3A_84 : vector<30x128xf32>
    %get3A_86 = arith.constant 0 : index
    %get3A_87 = arith.constant 0 : index
    %get3A_88 = vector.load %arg4[%get3A_86, %get3A_87] : memref<10x30xf32, #tpu.memory_space<vmem>>, vector<10x30xf32>
    %dot_general3A_89 = arith.constant dense<0.000000e+00> : vector<10x128xf32>
    %dot_general3A_90 = tpu.matmul %get3A_88, %max3A_85, %dot_general3A_89 {dimension_numbers = #tpu.dot_dimension_numbers<[1], [0], [0], [1], [0, 0, 1, 1], [], []>, transpose_lhs_hint = false} : vector<10x30xf32>, vector<30x128xf32>, vector<10x128xf32> -> vector<10x128xf32>
    %get3A_91 = arith.constant 0 : index
    %get3A_92 = arith.constant 0 : index
    %get3A_93 = vector.load %arg5[%get3A_91, %get3A_92] : memref<10x1xf32, #tpu.memory_space<vmem>>, vector<10x1xf32>
    %add3A_94 = vector.broadcast %get3A_93 : vector<10x1xf32> to vector<10x128xf32>
    %add3A_95 = arith.addf %dot_general3A_90, %add3A_94 : vector<10x128xf32>
    %max3A_96 = arith.constant 0.000000e+00 : f32
    %max3A_97 = vector.broadcast %max3A_96 : f32 to vector<10x128xf32>
    %max3A_98 = arith.maximumf %add3A_95, %max3A_97 : vector<10x128xf32>
    %get3A_99 = arith.constant 0 : index
    %get3A_100 = arith.constant 0 : index
    %get3A_101 = vector.load %arg6[%get3A_99, %get3A_100] : memref<1x10xf32, #tpu.memory_space<vmem>>, vector<1x10xf32>
    %dot_general3A_102 = arith.constant dense<0.000000e+00> : vector<1x128xf32>
    %dot_general3A_103 = tpu.matmul %get3A_101, %max3A_98, %dot_general3A_102 {dimension_numbers = #tpu.dot_dimension_numbers<[1], [0], [0], [1], [0, 0, 1, 1], [], []>, transpose_lhs_hint = false} : vector<1x10xf32>, vector<10x128xf32>, vector<1x128xf32> -> vector<1x128xf32>
    %get3A_104 = arith.constant 0 : index
    %get3A_105 = arith.constant 0 : index
    %get3A_106 = vector.load %arg7[%get3A_104, %get3A_105] : memref<1x1xf32, #tpu.memory_space<vmem>>, vector<1x1xf32>
    %add3A_107 = vector.broadcast %get3A_106 : vector<1x1xf32> to vector<1x128xf32>
    %add3A_108 = arith.addf %dot_general3A_103, %add3A_107 : vector<1x128xf32>
    %reduce_sum3A_109 = arith.constant dense<0.000000e+00> : vector<1xf32>
    %reduce_sum3A_110 = vector.multi_reduction <add>, %add3A_108, %reduce_sum3A_109 [1] : vector<1x128xf32> to vector<1xf32>
    %broadcast_in_dim3A_111 = vector.shape_cast %reduce_sum3A_110 : vector<1xf32> to vector<1x1xf32>
    %div3A_112 = arith.constant 1.280000e+02 : f32
    %div3A_113 = vector.broadcast %div3A_112 : f32 to vector<1x1xf32>
    %div3A_114 = arith.divf %broadcast_in_dim3A_111, %div3A_113 : vector<1x1xf32>
    %sub3A_115 = vector.broadcast %div3A_114 : vector<1x1xf32> to vector<1x128xf32>
    %sub3A_116 = arith.subf %add3A_108, %sub3A_115 : vector<1x128xf32>
    %integer_pow3A_117 = arith.mulf %sub3A_116, %sub3A_116 : vector<1x128xf32>
    %reduce_sum3A_118 = arith.constant dense<0.000000e+00> : vector<1xf32>
    %reduce_sum3A_119 = vector.multi_reduction <add>, %integer_pow3A_117, %reduce_sum3A_118 [1] : vector<1x128xf32> to vector<1xf32>
    %broadcast_in_dim3A_120 = vector.shape_cast %reduce_sum3A_119 : vector<1xf32> to vector<1x1xf32>
    %div3A_121 = arith.constant 1.280000e+02 : f32
    %div3A_122 = vector.broadcast %div3A_121 : f32 to vector<1x1xf32>
    %div3A_123 = arith.divf %broadcast_in_dim3A_120, %div3A_122 : vector<1x1xf32>
    %sub3A_124 = vector.broadcast %div3A_114 : vector<1x1xf32> to vector<1x128xf32>
    %sub3A_125 = arith.subf %add3A_108, %sub3A_124 : vector<1x128xf32>
    %add3A_126 = arith.constant 9.99999974E-6 : f32
    %add3A_127 = vector.broadcast %add3A_126 : f32 to vector<1x1xf32>
    %add3A_128 = arith.addf %div3A_123, %add3A_127 : vector<1x1xf32>
    %sqrt3A_129 = math.sqrt %add3A_128 : vector<1x1xf32>
    %div3A_130 = vector.broadcast %sqrt3A_129 : vector<1x1xf32> to vector<1x128xf32>
    %div3A_131 = arith.divf %sub3A_125, %div3A_130 : vector<1x128xf32>
    %get3A_132 = arith.constant 1 : index
    %get3A_133 = arith.constant 0 : index
    %get3A_134 = arith.constant 0 : index
    %get3A_135 = vector.load %arg10[%get3A_132, %get3A_133, %get3A_134] : memref<4x1536x128xf32, #tpu.memory_space<vmem>>, vector<1x1536x128xf32>
    %get3A_136 = vector.shape_cast %get3A_135 : vector<1x1536x128xf32> to vector<1536x128xf32>
    %dot_general3A_137 = arith.constant dense<0.000000e+00> : vector<1x1536xf32>
    %dot_general3A_138 = tpu.matmul %div3A_131, %get3A_136, %dot_general3A_137 {dimension_numbers = #tpu.dot_dimension_numbers<[1], [1], [0], [0], [0, 0, 1, 0], [], []>, transpose_lhs_hint = false} : vector<1x128xf32>, vector<1536x128xf32>, vector<1x1536xf32> -> vector<1x1536xf32>
    %mul3A_139 = arith.constant 4 : i32
    %mul3A_140 = arith.muli %arg0, %mul3A_139 : i32
    %add3A_141 = arith.constant 1 : i32
    %add3A_142 = arith.addi %mul3A_140, %add3A_141 : i32
    %swap3A_143 = arith.index_cast %add3A_142 : i32 to index
    %swap3A_144 = arith.constant 0 : index
    %swap3A_145 = vector.load %arg12[%swap3A_143, %swap3A_144] : memref<16x1536xf32, #tpu.memory_space<vmem>>, vector<1x1536xf32>
    tpu.vector_store %arg12[%swap3A_143, %swap3A_144], %dot_general3A_138 {strides = array<i32>} : memref<16x1536xf32, #tpu.memory_space<vmem>>, vector<1x1536xf32>,
    %get3A_146 = arith.constant 2 : index
    %get3A_147 = arith.constant 0 : index
    %get3A_148 = arith.constant 0 : index
    %get3A_149 = vector.load %arg1[%get3A_146, %get3A_147, %get3A_148] : memref<4x1x128xf32, #tpu.memory_space<vmem>>, vector<1x1x128xf32>
    %get3A_150 = vector.shape_cast %get3A_149 : vector<1x1x128xf32> to vector<1x128xf32>
    %get3A_151 = arith.constant 0 : index
    %get3A_152 = arith.constant 0 : index
    %get3A_153 = vector.load %arg2[%get3A_151, %get3A_152] : memref<30x1xf32, #tpu.memory_space<vmem>>, vector<30x1xf32>
    %mul3A_154 = vector.broadcast %get3A_153 : vector<30x1xf32> to vector<30x128xf32>
    %mul3A_155 = vector.broadcast %get3A_150 : vector<1x128xf32> to vector<30x128xf32>
    %mul3A_156 = arith.mulf %mul3A_154, %mul3A_155 : vector<30x128xf32>
    %get3A_157 = arith.constant 0 : index
    %get3A_158 = arith.constant 0 : index
    %get3A_159 = vector.load %arg3[%get3A_157, %get3A_158] : memref<30x1xf32, #tpu.memory_space<vmem>>, vector<30x1xf32>
    %add3A_160 = vector.broadcast %get3A_159 : vector<30x1xf32> to vector<30x128xf32>
    %add3A_161 = arith.addf %mul3A_156, %add3A_160 : vector<30x128xf32>
    %max3A_162 = arith.constant 0.000000e+00 : f32
    %max3A_163 = vector.broadcast %max3A_162 : f32 to vector<30x128xf32>
    %max3A_164 = arith.maximumf %add3A_161, %max3A_163 : vector<30x128xf32>
    %get3A_165 = arith.constant 0 : index
    %get3A_166 = arith.constant 0 : index
    %get3A_167 = vector.load %arg4[%get3A_165, %get3A_166] : memref<10x30xf32, #tpu.memory_space<vmem>>, vector<10x30xf32>
    %dot_general3A_168 = arith.constant dense<0.000000e+00> : vector<10x128xf32>
    %dot_general3A_169 = tpu.matmul %get3A_167, %max3A_164, %dot_general3A_168 {dimension_numbers = #tpu.dot_dimension_numbers<[1], [0], [0], [1], [0, 0, 1, 1], [], []>, transpose_lhs_hint = false} : vector<10x30xf32>, vector<30x128xf32>, vector<10x128xf32> -> vector<10x128xf32>
    %get3A_170 = arith.constant 0 : index
    %get3A_171 = arith.constant 0 : index
    %get3A_172 = vector.load %arg5[%get3A_170, %get3A_171] : memref<10x1xf32, #tpu.memory_space<vmem>>, vector<10x1xf32>
    %add3A_173 = vector.broadcast %get3A_172 : vector<10x1xf32> to vector<10x128xf32>
    %add3A_174 = arith.addf %dot_general3A_169, %add3A_173 : vector<10x128xf32>
    %max3A_175 = arith.constant 0.000000e+00 : f32
    %max3A_176 = vector.broadcast %max3A_175 : f32 to vector<10x128xf32>
    %max3A_177 = arith.maximumf %add3A_174, %max3A_176 : vector<10x128xf32>
    %get3A_178 = arith.constant 0 : index
    %get3A_179 = arith.constant 0 : index
    %get3A_180 = vector.load %arg6[%get3A_178, %get3A_179] : memref<1x10xf32, #tpu.memory_space<vmem>>, vector<1x10xf32>
    %dot_general3A_181 = arith.constant dense<0.000000e+00> : vector<1x128xf32>
    %dot_general3A_182 = tpu.matmul %get3A_180, %max3A_177, %dot_general3A_181 {dimension_numbers = #tpu.dot_dimension_numbers<[1], [0], [0], [1], [0, 0, 1, 1], [], []>, transpose_lhs_hint = false} : vector<1x10xf32>, vector<10x128xf32>, vector<1x128xf32> -> vector<1x128xf32>
    %get3A_183 = arith.constant 0 : index
    %get3A_184 = arith.constant 0 : index
    %get3A_185 = vector.load %arg7[%get3A_183, %get3A_184] : memref<1x1xf32, #tpu.memory_space<vmem>>, vector<1x1xf32>
    %add3A_186 = vector.broadcast %get3A_185 : vector<1x1xf32> to vector<1x128xf32>
    %add3A_187 = arith.addf %dot_general3A_182, %add3A_186 : vector<1x128xf32>
    %reduce_sum3A_188 = arith.constant dense<0.000000e+00> : vector<1xf32>
    %reduce_sum3A_189 = vector.multi_reduction <add>, %add3A_187, %reduce_sum3A_188 [1] : vector<1x128xf32> to vector<1xf32>
    %broadcast_in_dim3A_190 = vector.shape_cast %reduce_sum3A_189 : vector<1xf32> to vector<1x1xf32>
    %div3A_191 = arith.constant 1.280000e+02 : f32
    %div3A_192 = vector.broadcast %div3A_191 : f32 to vector<1x1xf32>
    %div3A_193 = arith.divf %broadcast_in_dim3A_190, %div3A_192 : vector<1x1xf32>
    %sub3A_194 = vector.broadcast %div3A_193 : vector<1x1xf32> to vector<1x128xf32>
    %sub3A_195 = arith.subf %add3A_187, %sub3A_194 : vector<1x128xf32>
    %integer_pow3A_196 = arith.mulf %sub3A_195, %sub3A_195 : vector<1x128xf32>
    %reduce_sum3A_197 = arith.constant dense<0.000000e+00> : vector<1xf32>
    %reduce_sum3A_198 = vector.multi_reduction <add>, %integer_pow3A_196, %reduce_sum3A_197 [1] : vector<1x128xf32> to vector<1xf32>
    %broadcast_in_dim3A_199 = vector.shape_cast %reduce_sum3A_198 : vector<1xf32> to vector<1x1xf32>
    %div3A_200 = arith.constant 1.280000e+02 : f32
    %div3A_201 = vector.broadcast %div3A_200 : f32 to vector<1x1xf32>
    %div3A_202 = arith.divf %broadcast_in_dim3A_199, %div3A_201 : vector<1x1xf32>
    %sub3A_203 = vector.broadcast %div3A_193 : vector<1x1xf32> to vector<1x128xf32>
    %sub3A_204 = arith.subf %add3A_187, %sub3A_203 : vector<1x128xf32>
    %add3A_205 = arith.constant 9.99999974E-6 : f32
    %add3A_206 = vector.broadcast %add3A_205 : f32 to vector<1x1xf32>
    %add3A_207 = arith.addf %div3A_202, %add3A_206 : vector<1x1xf32>
    %sqrt3A_208 = math.sqrt %add3A_207 : vector<1x1xf32>
    %div3A_209 = vector.broadcast %sqrt3A_208 : vector<1x1xf32> to vector<1x128xf32>
    %div3A_210 = arith.divf %sub3A_204, %div3A_209 : vector<1x128xf32>
    %get3A_211 = arith.constant 2 : index
    %get3A_212 = arith.constant 0 : index
    %get3A_213 = arith.constant 0 : index
    %get3A_214 = vector.load %arg10[%get3A_211, %get3A_212, %get3A_213] : memref<4x1536x128xf32, #tpu.memory_space<vmem>>, vector<1x1536x128xf32>
    %get3A_215 = vector.shape_cast %get3A_214 : vector<1x1536x128xf32> to vector<1536x128xf32>
    %dot_general3A_216 = arith.constant dense<0.000000e+00> : vector<1x1536xf32>
    %dot_general3A_217 = tpu.matmul %div3A_210, %get3A_215, %dot_general3A_216 {dimension_numbers = #tpu.dot_dimension_numbers<[1], [1], [0], [0], [0, 0, 1, 0], [], []>, transpose_lhs_hint = false} : vector<1x128xf32>, vector<1536x128xf32>, vector<1x1536xf32> -> vector<1x1536xf32>
    %mul3A_218 = arith.constant 4 : i32
    %mul3A_219 = arith.muli %arg0, %mul3A_218 : i32
    %add3A_220 = arith.constant 2 : i32
    %add3A_221 = arith.addi %mul3A_219, %add3A_220 : i32
    %swap3A_222 = arith.index_cast %add3A_221 : i32 to index
    %swap3A_223 = arith.constant 0 : index
    %swap3A_224 = vector.load %arg12[%swap3A_222, %swap3A_223] : memref<16x1536xf32, #tpu.memory_space<vmem>>, vector<1x1536xf32>
    tpu.vector_store %arg12[%swap3A_222, %swap3A_223], %dot_general3A_217 {strides = array<i32>} : memref<16x1536xf32, #tpu.memory_space<vmem>>, vector<1x1536xf32>,
    %get3A_225 = arith.constant 3 : index
    %get3A_226 = arith.constant 0 : index
    %get3A_227 = arith.constant 0 : index
    %get3A_228 = vector.load %arg1[%get3A_225, %get3A_226, %get3A_227] : memref<4x1x128xf32, #tpu.memory_space<vmem>>, vector<1x1x128xf32>
    %get3A_229 = vector.shape_cast %get3A_228 : vector<1x1x128xf32> to vector<1x128xf32>
    %get3A_230 = arith.constant 0 : index
    %get3A_231 = arith.constant 0 : index
    %get3A_232 = vector.load %arg2[%get3A_230, %get3A_231] : memref<30x1xf32, #tpu.memory_space<vmem>>, vector<30x1xf32>
    %mul3A_233 = vector.broadcast %get3A_232 : vector<30x1xf32> to vector<30x128xf32>
    %mul3A_234 = vector.broadcast %get3A_229 : vector<1x128xf32> to vector<30x128xf32>
    %mul3A_235 = arith.mulf %mul3A_233, %mul3A_234 : vector<30x128xf32>
    %get3A_236 = arith.constant 0 : index
    %get3A_237 = arith.constant 0 : index
    %get3A_238 = vector.load %arg3[%get3A_236, %get3A_237] : memref<30x1xf32, #tpu.memory_space<vmem>>, vector<30x1xf32>
    %add3A_239 = vector.broadcast %get3A_238 : vector<30x1xf32> to vector<30x128xf32>
    %add3A_240 = arith.addf %mul3A_235, %add3A_239 : vector<30x128xf32>
    %max3A_241 = arith.constant 0.000000e+00 : f32
    %max3A_242 = vector.broadcast %max3A_241 : f32 to vector<30x128xf32>
    %max3A_243 = arith.maximumf %add3A_240, %max3A_242 : vector<30x128xf32>
    %get3A_244 = arith.constant 0 : index
    %get3A_245 = arith.constant 0 : index
    %get3A_246 = vector.load %arg4[%get3A_244, %get3A_245] : memref<10x30xf32, #tpu.memory_space<vmem>>, vector<10x30xf32>
    %dot_general3A_247 = arith.constant dense<0.000000e+00> : vector<10x128xf32>
    %dot_general3A_248 = tpu.matmul %get3A_246, %max3A_243, %dot_general3A_247 {dimension_numbers = #tpu.dot_dimension_numbers<[1], [0], [0], [1], [0, 0, 1, 1], [], []>, transpose_lhs_hint = false} : vector<10x30xf32>, vector<30x128xf32>, vector<10x128xf32> -> vector<10x128xf32>
    %get3A_249 = arith.constant 0 : index
    %get3A_250 = arith.constant 0 : index
    %get3A_251 = vector.load %arg5[%get3A_249, %get3A_250] : memref<10x1xf32, #tpu.memory_space<vmem>>, vector<10x1xf32>
    %add3A_252 = vector.broadcast %get3A_251 : vector<10x1xf32> to vector<10x128xf32>
    %add3A_253 = arith.addf %dot_general3A_248, %add3A_252 : vector<10x128xf32>
    %max3A_254 = arith.constant 0.000000e+00 : f32
    %max3A_255 = vector.broadcast %max3A_254 : f32 to vector<10x128xf32>
    %max3A_256 = arith.maximumf %add3A_253, %max3A_255 : vector<10x128xf32>
    %get3A_257 = arith.constant 0 : index
    %get3A_258 = arith.constant 0 : index
    %get3A_259 = vector.load %arg6[%get3A_257, %get3A_258] : memref<1x10xf32, #tpu.memory_space<vmem>>, vector<1x10xf32>
    %dot_general3A_260 = arith.constant dense<0.000000e+00> : vector<1x128xf32>
    %dot_general3A_261 = tpu.matmul %get3A_259, %max3A_256, %dot_general3A_260 {dimension_numbers = #tpu.dot_dimension_numbers<[1], [0], [0], [1], [0, 0, 1, 1], [], []>, transpose_lhs_hint = false} : vector<1x10xf32>, vector<10x128xf32>, vector<1x128xf32> -> vector<1x128xf32>
    %get3A_262 = arith.constant 0 : index
    %get3A_263 = arith.constant 0 : index
    %get3A_264 = vector.load %arg7[%get3A_262, %get3A_263] : memref<1x1xf32, #tpu.memory_space<vmem>>, vector<1x1xf32>
    %add3A_265 = vector.broadcast %get3A_264 : vector<1x1xf32> to vector<1x128xf32>
    %add3A_266 = arith.addf %dot_general3A_261, %add3A_265 : vector<1x128xf32>
    %reduce_sum3A_267 = arith.constant dense<0.000000e+00> : vector<1xf32>
    %reduce_sum3A_268 = vector.multi_reduction <add>, %add3A_266, %reduce_sum3A_267 [1] : vector<1x128xf32> to vector<1xf32>
    %broadcast_in_dim3A_269 = vector.shape_cast %reduce_sum3A_268 : vector<1xf32> to vector<1x1xf32>
    %div3A_270 = arith.constant 1.280000e+02 : f32
    %div3A_271 = vector.broadcast %div3A_270 : f32 to vector<1x1xf32>
    %div3A_272 = arith.divf %broadcast_in_dim3A_269, %div3A_271 : vector<1x1xf32>
    %sub3A_273 = vector.broadcast %div3A_272 : vector<1x1xf32> to vector<1x128xf32>
    %sub3A_274 = arith.subf %add3A_266, %sub3A_273 : vector<1x128xf32>
    %integer_pow3A_275 = arith.mulf %sub3A_274, %sub3A_274 : vector<1x128xf32>
    %reduce_sum3A_276 = arith.constant dense<0.000000e+00> : vector<1xf32>
    %reduce_sum3A_277 = vector.multi_reduction <add>, %integer_pow3A_275, %reduce_sum3A_276 [1] : vector<1x128xf32> to vector<1xf32>
    %broadcast_in_dim3A_278 = vector.shape_cast %reduce_sum3A_277 : vector<1xf32> to vector<1x1xf32>
    %div3A_279 = arith.constant 1.280000e+02 : f32
    %div3A_280 = vector.broadcast %div3A_279 : f32 to vector<1x1xf32>
    %div3A_281 = arith.divf %broadcast_in_dim3A_278, %div3A_280 : vector<1x1xf32>
    %sub3A_282 = vector.broadcast %div3A_272 : vector<1x1xf32> to vector<1x128xf32>
    %sub3A_283 = arith.subf %add3A_266, %sub3A_282 : vector<1x128xf32>
    %add3A_284 = arith.constant 9.99999974E-6 : f32
    %add3A_285 = vector.broadcast %add3A_284 : f32 to vector<1x1xf32>
    %add3A_286 = arith.addf %div3A_281, %add3A_285 : vector<1x1xf32>
    %sqrt3A_287 = math.sqrt %add3A_286 : vector<1x1xf32>
    %div3A_288 = vector.broadcast %sqrt3A_287 : vector<1x1xf32> to vector<1x128xf32>
    %div3A_289 = arith.divf %sub3A_283, %div3A_288 : vector<1x128xf32>
    %get3A_290 = arith.constant 3 : index
    %get3A_291 = arith.constant 0 : index
    %get3A_292 = arith.constant 0 : index
    %get3A_293 = vector.load %arg10[%get3A_290, %get3A_291, %get3A_292] : memref<4x1536x128xf32, #tpu.memory_space<vmem>>, vector<1x1536x128xf32>
    %get3A_294 = vector.shape_cast %get3A_293 : vector<1x1536x128xf32> to vector<1536x128xf32>
    %dot_general3A_295 = arith.constant dense<0.000000e+00> : vector<1x1536xf32>
    %dot_general3A_296 = tpu.matmul %div3A_289, %get3A_294, %dot_general3A_295 {dimension_numbers = #tpu.dot_dimension_numbers<[1], [1], [0], [0], [0, 0, 1, 0], [], []>, transpose_lhs_hint = false} : vector<1x128xf32>, vector<1536x128xf32>, vector<1x1536xf32> -> vector<1x1536xf32>
    %mul3A_297 = arith.constant 4 : i32
    %mul3A_298 = arith.muli %arg0, %mul3A_297 : i32
    %add3A_299 = arith.constant 3 : i32
    %add3A_300 = arith.addi %mul3A_298, %add3A_299 : i32
    %swap3A_301 = arith.index_cast %add3A_300 : i32 to index
    %swap3A_302 = arith.constant 0 : index
    %swap3A_303 = vector.load %arg12[%swap3A_301, %swap3A_302] : memref<16x1536xf32, #tpu.memory_space<vmem>>, vector<1x1536xf32>
    tpu.vector_store %arg12[%swap3A_301, %swap3A_302], %dot_general3A_296 {strides = array<i32>} : memref<16x1536xf32, #tpu.memory_space<vmem>>, vector<1x1536xf32>,
    %eq3A = arith.constant 3 : i32
    %eq3A_304 = arith.cmpi eq, %arg0, %eq3A : i32
    %convert_element_type3A = arith.extui %eq3A_304 : i1 to i32
    %cond3A = arith.constant 0 : i32
    %cond3A_305 = arith.cmpi ne, %convert_element_type3A, %cond3A : i32
    scf.if %cond3A_305 {
      %get3A_306 = arith.constant 0 : index
      %get3A_307 = arith.constant 0 : index
      %get3A_308 = vector.load %arg12[%get3A_306, %get3A_307] : memref<16x1536xf32, #tpu.memory_space<vmem>>, vector<16x1536xf32>
      %slice3A = vector.extract_strided_slice %get3A_308 {offsets = [0, 0], sizes = [16, 256], strides = [1, 1]} : vector<16x1536xf32> to vector<16x256xf32>
      %slice3A_309 = vector.extract_strided_slice %get3A_308 {offsets = [0, 256], sizes = [16, 256], strides = [1, 1]} : vector<16x1536xf32> to vector<16x256xf32>
      %slice3A_310 = vector.extract_strided_slice %get3A_308 {offsets = [0, 512], sizes = [16, 256], strides = [1, 1]} : vector<16x1536xf32> to vector<16x256xf32>
      %concatenate3A = tpu.concatenate %slice3A, %slice3A_309, %slice3A_310 in 0 : vector<16x256xf32>, vector<16x256xf32>, vector<16x256xf32> -> vector<48x256xf32>
      %slice3A_311 = vector.extract_strided_slice %get3A_308 {offsets = [0, 768], sizes = [16, 256], strides = [1, 1]} : vector<16x1536xf32> to vector<16x256xf32>
      %slice3A_312 = vector.extract_strided_slice %get3A_308 {offsets = [0, 1024], sizes = [16, 256], strides = [1, 1]} : vector<16x1536xf32> to vector<16x256xf32>
      %slice3A_313 = vector.extract_strided_slice %get3A_308 {offsets = [0, 1280], sizes = [16, 256], strides = [1, 1]} : vector<16x1536xf32> to vector<16x256xf32>
      %concatenate3A_314 = tpu.concatenate %slice3A_311, %slice3A_312, %slice3A_313 in 0 : vector<16x256xf32>, vector<16x256xf32>, vector<16x256xf32> -> vector<48x256xf32>
      %sub3A_315 = arith.subf %concatenate3A_314, %concatenate3A : vector<48x256xf32>
      %abs3A = math.absf %sub3A_315 : vector<48x256xf32>
      %iota3A = tpu.iota {dimensions = array<i32: 1>} : vector<48x256xi32>
      %reduce_max3A = arith.constant dense<0xFF800000> : vector<48xf32>
      %reduce_max3A_316 = vector.multi_reduction <maximumf>, %abs3A, %reduce_max3A [1] : vector<48x256xf32> to vector<48xf32>
      %broadcast_in_dim3A_317 = vector.shape_cast %reduce_max3A_316 : vector<48xf32> to vector<48x1xf32>
      %eq3A_318 = vector.broadcast %broadcast_in_dim3A_317 : vector<48x1xf32> to vector<48x256xf32>
      %eq3A_319 = arith.cmpf oeq, %abs3A, %eq3A_318 : vector<48x256xf32>
      %jit3A = arith.constant 256 : i32
      %broadcast_in_dim3A_320 = vector.broadcast %jit3A : i32 to vector<48x256xi32>
      %select_n3A = arith.select %eq3A_319, %iota3A, %broadcast_in_dim3A_320 : vector<48x256xi1>, vector<48x256xi32>
      %reduce_min3A = arith.constant dense<2147483647> : vector<48xi32>
      %reduce_min3A_321 = vector.multi_reduction <minsi>, %select_n3A, %reduce_min3A [1] : vector<48x256xi32> to vector<48xi32>
      %broadcast_in_dim3A_322 = vector.shape_cast %reduce_min3A_321 : vector<48xi32> to vector<48x1xi32>
      %eq3A_323 = vector.broadcast %broadcast_in_dim3A_322 : vector<48x1xi32> to vector<48x256xi32>
      %eq3A_324 = arith.cmpi eq, %iota3A, %eq3A_323 : vector<48x256xi32>
      %jit3A_325 = arith.constant -1.000000e+00 : f32
      %broadcast_in_dim3A_326 = vector.broadcast %jit3A_325 : f32 to vector<48x256xf32>
      %select_n3A_327 = arith.select %eq3A_324, %broadcast_in_dim3A_326, %abs3A : vector<48x256xi1>, vector<48x256xf32>
      %reduce_max3A_328 = arith.constant dense<0xFF800000> : vector<48xf32>
      %reduce_max3A_329 = vector.multi_reduction <maximumf>, %select_n3A_327, %reduce_max3A_328 [1] : vector<48x256xf32> to vector<48xf32>
      %broadcast_in_dim3A_330 = vector.shape_cast %reduce_max3A_329 : vector<48xf32> to vector<48x1xf32>
      %eq3A_331 = vector.broadcast %broadcast_in_dim3A_330 : vector<48x1xf32> to vector<48x256xf32>
      %eq3A_332 = arith.cmpf oeq, %select_n3A_327, %eq3A_331 : vector<48x256xf32>
      %jit3A_333 = arith.constant 256 : i32
      %broadcast_in_dim3A_334 = vector.broadcast %jit3A_333 : i32 to vector<48x256xi32>
      %select_n3A_335 = arith.select %eq3A_332, %iota3A, %broadcast_in_dim3A_334 : vector<48x256xi1>, vector<48x256xi32>
      %reduce_min3A_336 = arith.constant dense<2147483647> : vector<48xi32>
      %reduce_min3A_337 = vector.multi_reduction <minsi>, %select_n3A_335, %reduce_min3A_336 [1] : vector<48x256xi32> to vector<48xi32>
      %broadcast_in_dim3A_338 = vector.shape_cast %reduce_min3A_337 : vector<48xi32> to vector<48x1xi32>
      %eq3A_339 = vector.broadcast %broadcast_in_dim3A_338 : vector<48x1xi32> to vector<48x256xi32>
      %eq3A_340 = arith.cmpi eq, %iota3A, %eq3A_339 : vector<48x256xi32>
      %jit3A_341 = arith.constant -1.000000e+00 : f32
      %broadcast_in_dim3A_342 = vector.broadcast %jit3A_341 : f32 to vector<48x256xf32>
      %select_n3A_343 = arith.select %eq3A_340, %broadcast_in_dim3A_342, %select_n3A_327 : vector<48x256xi1>, vector<48x256xf32>
      %reduce_max3A_344 = arith.constant dense<0xFF800000> : vector<48xf32>
      %reduce_max3A_345 = vector.multi_reduction <maximumf>, %select_n3A_343, %reduce_max3A_344 [1] : vector<48x256xf32> to vector<48xf32>
      %broadcast_in_dim3A_346 = vector.shape_cast %reduce_max3A_345 : vector<48xf32> to vector<48x1xf32>
      %eq3A_347 = vector.broadcast %broadcast_in_dim3A_346 : vector<48x1xf32> to vector<48x256xf32>
      %eq3A_348 = arith.cmpf oeq, %select_n3A_343, %eq3A_347 : vector<48x256xf32>
      %jit3A_349 = arith.constant 256 : i32
      %broadcast_in_dim3A_350 = vector.broadcast %jit3A_349 : i32 to vector<48x256xi32>
      %select_n3A_351 = arith.select %eq3A_348, %iota3A, %broadcast_in_dim3A_350 : vector<48x256xi1>, vector<48x256xi32>
      %reduce_min3A_352 = arith.constant dense<2147483647> : vector<48xi32>
      %reduce_min3A_353 = vector.multi_reduction <minsi>, %select_n3A_351, %reduce_min3A_352 [1] : vector<48x256xi32> to vector<48xi32>
      %broadcast_in_dim3A_354 = vector.shape_cast %reduce_min3A_353 : vector<48xi32> to vector<48x1xi32>
      %eq3A_355 = vector.broadcast %broadcast_in_dim3A_354 : vector<48x1xi32> to vector<48x256xi32>
      %eq3A_356 = arith.cmpi eq, %iota3A, %eq3A_355 : vector<48x256xi32>
      %jit3A_357 = arith.constant -1.000000e+00 : f32
      %broadcast_in_dim3A_358 = vector.broadcast %jit3A_357 : f32 to vector<48x256xf32>
      %select_n3A_359 = arith.select %eq3A_356, %broadcast_in_dim3A_358, %select_n3A_343 : vector<48x256xi1>, vector<48x256xf32>
      %reduce_max3A_360 = arith.constant dense<0xFF800000> : vector<48xf32>
      %reduce_max3A_361 = vector.multi_reduction <maximumf>, %select_n3A_359, %reduce_max3A_360 [1] : vector<48x256xf32> to vector<48xf32>
      %broadcast_in_dim3A_362 = vector.shape_cast %reduce_max3A_361 : vector<48xf32> to vector<48x1xf32>
      %eq3A_363 = vector.broadcast %broadcast_in_dim3A_362 : vector<48x1xf32> to vector<48x256xf32>
      %eq3A_364 = arith.cmpf oeq, %select_n3A_359, %eq3A_363 : vector<48x256xf32>
      %jit3A_365 = arith.constant 256 : i32
      %broadcast_in_dim3A_366 = vector.broadcast %jit3A_365 : i32 to vector<48x256xi32>
      %select_n3A_367 = arith.select %eq3A_364, %iota3A, %broadcast_in_dim3A_366 : vector<48x256xi1>, vector<48x256xi32>
      %reduce_min3A_368 = arith.constant dense<2147483647> : vector<48xi32>
      %reduce_min3A_369 = vector.multi_reduction <minsi>, %select_n3A_367, %reduce_min3A_368 [1] : vector<48x256xi32> to vector<48xi32>
      %broadcast_in_dim3A_370 = vector.shape_cast %reduce_min3A_369 : vector<48xi32> to vector<48x1xi32>
      %eq3A_371 = vector.broadcast %broadcast_in_dim3A_370 : vector<48x1xi32> to vector<48x256xi32>
      %eq3A_372 = arith.cmpi eq, %iota3A, %eq3A_371 : vector<48x256xi32>
      %jit3A_373 = arith.constant -1.000000e+00 : f32
      %broadcast_in_dim3A_374 = vector.broadcast %jit3A_373 : f32 to vector<48x256xf32>
      %select_n3A_375 = arith.select %eq3A_372, %broadcast_in_dim3A_374, %select_n3A_359 : vector<48x256xi1>, vector<48x256xf32>
      %reduce_max3A_376 = arith.constant dense<0xFF800000> : vector<48xf32>
      %reduce_max3A_377 = vector.multi_reduction <maximumf>, %select_n3A_375, %reduce_max3A_376 [1] : vector<48x256xf32> to vector<48xf32>
      %broadcast_in_dim3A_378 = vector.shape_cast %reduce_max3A_377 : vector<48xf32> to vector<48x1xf32>
      %eq3A_379 = vector.broadcast %broadcast_in_dim3A_378 : vector<48x1xf32> to vector<48x256xf32>
      %eq3A_380 = arith.cmpf oeq, %select_n3A_375, %eq3A_379 : vector<48x256xf32>
      %jit3A_381 = arith.constant 256 : i32
      %broadcast_in_dim3A_382 = vector.broadcast %jit3A_381 : i32 to vector<48x256xi32>
      %select_n3A_383 = arith.select %eq3A_380, %iota3A, %broadcast_in_dim3A_382 : vector<48x256xi1>, vector<48x256xi32>
      %reduce_min3A_384 = arith.constant dense<2147483647> : vector<48xi32>
      %reduce_min3A_385 = vector.multi_reduction <minsi>, %select_n3A_383, %reduce_min3A_384 [1] : vector<48x256xi32> to vector<48xi32>
      %broadcast_in_dim3A_386 = vector.shape_cast %reduce_min3A_385 : vector<48xi32> to vector<48x1xi32>
      %eq3A_387 = vector.broadcast %broadcast_in_dim3A_386 : vector<48x1xi32> to vector<48x256xi32>
      %eq3A_388 = arith.cmpi eq, %iota3A, %eq3A_387 : vector<48x256xi32>
      %jit3A_389 = arith.constant -1.000000e+00 : f32
      %broadcast_in_dim3A_390 = vector.broadcast %jit3A_389 : f32 to vector<48x256xf32>
      %select_n3A_391 = arith.select %eq3A_388, %broadcast_in_dim3A_390, %select_n3A_375 : vector<48x256xi1>, vector<48x256xf32>
      %reduce_max3A_392 = arith.constant dense<0xFF800000> : vector<48xf32>
      %reduce_max3A_393 = vector.multi_reduction <maximumf>, %select_n3A_391, %reduce_max3A_392 [1] : vector<48x256xf32> to vector<48xf32>
      %broadcast_in_dim3A_394 = vector.shape_cast %reduce_max3A_393 : vector<48xf32> to vector<48x1xf32>
      %eq3A_395 = vector.broadcast %broadcast_in_dim3A_394 : vector<48x1xf32> to vector<48x256xf32>
      %eq3A_396 = arith.cmpf oeq, %select_n3A_391, %eq3A_395 : vector<48x256xf32>
      %jit3A_397 = arith.constant 256 : i32
      %broadcast_in_dim3A_398 = vector.broadcast %jit3A_397 : i32 to vector<48x256xi32>
      %select_n3A_399 = arith.select %eq3A_396, %iota3A, %broadcast_in_dim3A_398 : vector<48x256xi1>, vector<48x256xi32>
      %reduce_min3A_400 = arith.constant dense<2147483647> : vector<48xi32>
      %reduce_min3A_401 = vector.multi_reduction <minsi>, %select_n3A_399, %reduce_min3A_400 [1] : vector<48x256xi32> to vector<48xi32>
      %broadcast_in_dim3A_402 = vector.shape_cast %reduce_min3A_401 : vector<48xi32> to vector<48x1xi32>
      %eq3A_403 = vector.broadcast %broadcast_in_dim3A_402 : vector<48x1xi32> to vector<48x256xi32>
      %eq3A_404 = arith.cmpi eq, %iota3A, %eq3A_403 : vector<48x256xi32>
      %jit3A_405 = arith.constant -1.000000e+00 : f32
      %broadcast_in_dim3A_406 = vector.broadcast %jit3A_405 : f32 to vector<48x256xf32>
      %select_n3A_407 = arith.select %eq3A_404, %broadcast_in_dim3A_406, %select_n3A_391 : vector<48x256xi1>, vector<48x256xf32>
      %reduce_max3A_408 = arith.constant dense<0xFF800000> : vector<48xf32>
      %reduce_max3A_409 = vector.multi_reduction <maximumf>, %select_n3A_407, %reduce_max3A_408 [1] : vector<48x256xf32> to vector<48xf32>
      %broadcast_in_dim3A_410 = vector.shape_cast %reduce_max3A_409 : vector<48xf32> to vector<48x1xf32>
      %eq3A_411 = vector.broadcast %broadcast_in_dim3A_410 : vector<48x1xf32> to vector<48x256xf32>
      %eq3A_412 = arith.cmpf oeq, %select_n3A_407, %eq3A_411 : vector<48x256xf32>
      %jit3A_413 = arith.constant 256 : i32
      %broadcast_in_dim3A_414 = vector.broadcast %jit3A_413 : i32 to vector<48x256xi32>
      %select_n3A_415 = arith.select %eq3A_412, %iota3A, %broadcast_in_dim3A_414 : vector<48x256xi1>, vector<48x256xi32>
      %reduce_min3A_416 = arith.constant dense<2147483647> : vector<48xi32>
      %reduce_min3A_417 = vector.multi_reduction <minsi>, %select_n3A_415, %reduce_min3A_416 [1] : vector<48x256xi32> to vector<48xi32>
      %broadcast_in_dim3A_418 = vector.shape_cast %reduce_min3A_417 : vector<48xi32> to vector<48x1xi32>
      %eq3A_419 = vector.broadcast %broadcast_in_dim3A_418 : vector<48x1xi32> to vector<48x256xi32>
      %eq3A_420 = arith.cmpi eq, %iota3A, %eq3A_419 : vector<48x256xi32>
      %jit3A_421 = arith.constant -1.000000e+00 : f32
      %broadcast_in_dim3A_422 = vector.broadcast %jit3A_421 : f32 to vector<48x256xf32>
      %select_n3A_423 = arith.select %eq3A_420, %broadcast_in_dim3A_422, %select_n3A_407 : vector<48x256xi1>, vector<48x256xf32>
      %reduce_max3A_424 = arith.constant dense<0xFF800000> : vector<48xf32>
      %reduce_max3A_425 = vector.multi_reduction <maximumf>, %select_n3A_423, %reduce_max3A_424 [1] : vector<48x256xf32> to vector<48xf32>
      %broadcast_in_dim3A_426 = vector.shape_cast %reduce_max3A_425 : vector<48xf32> to vector<48x1xf32>
      %eq3A_427 = vector.broadcast %broadcast_in_dim3A_426 : vector<48x1xf32> to vector<48x256xf32>
      %eq3A_428 = arith.cmpf oeq, %select_n3A_423, %eq3A_427 : vector<48x256xf32>
      %jit3A_429 = arith.constant 256 : i32
      %broadcast_in_dim3A_430 = vector.broadcast %jit3A_429 : i32 to vector<48x256xi32>
      %select_n3A_431 = arith.select %eq3A_428, %iota3A, %broadcast_in_dim3A_430 : vector<48x256xi1>, vector<48x256xi32>
      %reduce_min3A_432 = arith.constant dense<2147483647> : vector<48xi32>
      %reduce_min3A_433 = vector.multi_reduction <minsi>, %select_n3A_431, %reduce_min3A_432 [1] : vector<48x256xi32> to vector<48xi32>
      %broadcast_in_dim3A_434 = vector.shape_cast %reduce_min3A_433 : vector<48xi32> to vector<48x1xi32>
      %eq3A_435 = vector.broadcast %broadcast_in_dim3A_434 : vector<48x1xi32> to vector<48x256xi32>
      %eq3A_436 = arith.cmpi eq, %iota3A, %eq3A_435 : vector<48x256xi32>
      %jit3A_437 = arith.constant -1.000000e+00 : f32
      %broadcast_in_dim3A_438 = vector.broadcast %jit3A_437 : f32 to vector<48x256xf32>
      %select_n3A_439 = arith.select %eq3A_436, %broadcast_in_dim3A_438, %select_n3A_423 : vector<48x256xi1>, vector<48x256xf32>
      %reduce_max3A_440 = arith.constant dense<0xFF800000> : vector<48xf32>
      %reduce_max3A_441 = vector.multi_reduction <maximumf>, %select_n3A_439, %reduce_max3A_440 [1] : vector<48x256xf32> to vector<48xf32>
      %broadcast_in_dim3A_442 = vector.shape_cast %reduce_max3A_441 : vector<48xf32> to vector<48x1xf32>
      %eq3A_443 = vector.broadcast %broadcast_in_dim3A_442 : vector<48x1xf32> to vector<48x256xf32>
      %eq3A_444 = arith.cmpf oeq, %select_n3A_439, %eq3A_443 : vector<48x256xf32>
      %jit3A_445 = arith.constant 256 : i32
      %broadcast_in_dim3A_446 = vector.broadcast %jit3A_445 : i32 to vector<48x256xi32>
      %select_n3A_447 = arith.select %eq3A_444, %iota3A, %broadcast_in_dim3A_446 : vector<48x256xi1>, vector<48x256xi32>
      %reduce_min3A_448 = arith.constant dense<2147483647> : vector<48xi32>
      %reduce_min3A_449 = vector.multi_reduction <minsi>, %select_n3A_447, %reduce_min3A_448 [1] : vector<48x256xi32> to vector<48xi32>
      %broadcast_in_dim3A_450 = vector.shape_cast %reduce_min3A_449 : vector<48xi32> to vector<48x1xi32>
      %eq3A_451 = vector.broadcast %broadcast_in_dim3A_450 : vector<48x1xi32> to vector<48x256xi32>
      %eq3A_452 = arith.cmpi eq, %iota3A, %eq3A_451 : vector<48x256xi32>
      %jit3A_453 = arith.constant -1.000000e+00 : f32
      %broadcast_in_dim3A_454 = vector.broadcast %jit3A_453 : f32 to vector<48x256xf32>
      %select_n3A_455 = arith.select %eq3A_452, %broadcast_in_dim3A_454, %select_n3A_439 : vector<48x256xi1>, vector<48x256xf32>
      %reduce_max3A_456 = arith.constant dense<0xFF800000> : vector<48xf32>
      %reduce_max3A_457 = vector.multi_reduction <maximumf>, %select_n3A_455, %reduce_max3A_456 [1] : vector<48x256xf32> to vector<48xf32>
      %broadcast_in_dim3A_458 = vector.shape_cast %reduce_max3A_457 : vector<48xf32> to vector<48x1xf32>
      %eq3A_459 = vector.broadcast %broadcast_in_dim3A_458 : vector<48x1xf32> to vector<48x256xf32>
      %eq3A_460 = arith.cmpf oeq, %select_n3A_455, %eq3A_459 : vector<48x256xf32>
      %jit3A_461 = arith.constant 256 : i32
      %broadcast_in_dim3A_462 = vector.broadcast %jit3A_461 : i32 to vector<48x256xi32>
      %select_n3A_463 = arith.select %eq3A_460, %iota3A, %broadcast_in_dim3A_462 : vector<48x256xi1>, vector<48x256xi32>
      %reduce_min3A_464 = arith.constant dense<2147483647> : vector<48xi32>
      %reduce_min3A_465 = vector.multi_reduction <minsi>, %select_n3A_463, %reduce_min3A_464 [1] : vector<48x256xi32> to vector<48xi32>
      %broadcast_in_dim3A_466 = vector.shape_cast %reduce_min3A_465 : vector<48xi32> to vector<48x1xi32>
      %eq3A_467 = vector.broadcast %broadcast_in_dim3A_466 : vector<48x1xi32> to vector<48x256xi32>
      %eq3A_468 = arith.cmpi eq, %iota3A, %eq3A_467 : vector<48x256xi32>
      %jit3A_469 = arith.constant -1.000000e+00 : f32
      %broadcast_in_dim3A_470 = vector.broadcast %jit3A_469 : f32 to vector<48x256xf32>
      %select_n3A_471 = arith.select %eq3A_468, %broadcast_in_dim3A_470, %select_n3A_455 : vector<48x256xi1>, vector<48x256xf32>
      %reduce_max3A_472 = arith.constant dense<0xFF800000> : vector<48xf32>
      %reduce_max3A_473 = vector.multi_reduction <maximumf>, %select_n3A_471, %reduce_max3A_472 [1] : vector<48x256xf32> to vector<48xf32>
      %broadcast_in_dim3A_474 = vector.shape_cast %reduce_max3A_473 : vector<48xf32> to vector<48x1xf32>
      %eq3A_475 = vector.broadcast %broadcast_in_dim3A_474 : vector<48x1xf32> to vector<48x256xf32>
      %eq3A_476 = arith.cmpf oeq, %select_n3A_471, %eq3A_475 : vector<48x256xf32>
      %jit3A_477 = arith.constant 256 : i32
      %broadcast_in_dim3A_478 = vector.broadcast %jit3A_477 : i32 to vector<48x256xi32>
      %select_n3A_479 = arith.select %eq3A_476, %iota3A, %broadcast_in_dim3A_478 : vector<48x256xi1>, vector<48x256xi32>
      %reduce_min3A_480 = arith.constant dense<2147483647> : vector<48xi32>
      %reduce_min3A_481 = vector.multi_reduction <minsi>, %select_n3A_479, %reduce_min3A_480 [1] : vector<48x256xi32> to vector<48xi32>
      %broadcast_in_dim3A_482 = vector.shape_cast %reduce_min3A_481 : vector<48xi32> to vector<48x1xi32>
      %eq3A_483 = vector.broadcast %broadcast_in_dim3A_482 : vector<48x1xi32> to vector<48x256xi32>
      %eq3A_484 = arith.cmpi eq, %iota3A, %eq3A_483 : vector<48x256xi32>
      %jit3A_485 = arith.constant -1.000000e+00 : f32
      %broadcast_in_dim3A_486 = vector.broadcast %jit3A_485 : f32 to vector<48x256xf32>
      %select_n3A_487 = arith.select %eq3A_484, %broadcast_in_dim3A_486, %select_n3A_471 : vector<48x256xi1>, vector<48x256xf32>
      %reduce_max3A_488 = arith.constant dense<0xFF800000> : vector<48xf32>
      %reduce_max3A_489 = vector.multi_reduction <maximumf>, %select_n3A_487, %reduce_max3A_488 [1] : vector<48x256xf32> to vector<48xf32>
      %broadcast_in_dim3A_490 = vector.shape_cast %reduce_max3A_489 : vector<48xf32> to vector<48x1xf32>
      %eq3A_491 = vector.broadcast %broadcast_in_dim3A_490 : vector<48x1xf32> to vector<48x256xf32>
      %eq3A_492 = arith.cmpf oeq, %select_n3A_487, %eq3A_491 : vector<48x256xf32>
      %jit3A_493 = arith.constant 256 : i32
      %broadcast_in_dim3A_494 = vector.broadcast %jit3A_493 : i32 to vector<48x256xi32>
      %select_n3A_495 = arith.select %eq3A_492, %iota3A, %broadcast_in_dim3A_494 : vector<48x256xi1>, vector<48x256xi32>
      %reduce_min3A_496 = arith.constant dense<2147483647> : vector<48xi32>
      %reduce_min3A_497 = vector.multi_reduction <minsi>, %select_n3A_495, %reduce_min3A_496 [1] : vector<48x256xi32> to vector<48xi32>
      %broadcast_in_dim3A_498 = vector.shape_cast %reduce_min3A_497 : vector<48xi32> to vector<48x1xi32>
      %eq3A_499 = vector.broadcast %broadcast_in_dim3A_498 : vector<48x1xi32> to vector<48x256xi32>
      %eq3A_500 = arith.cmpi eq, %iota3A, %eq3A_499 : vector<48x256xi32>
      %jit3A_501 = arith.constant -1.000000e+00 : f32
      %broadcast_in_dim3A_502 = vector.broadcast %jit3A_501 : f32 to vector<48x256xf32>
      %select_n3A_503 = arith.select %eq3A_500, %broadcast_in_dim3A_502, %select_n3A_487 : vector<48x256xi1>, vector<48x256xf32>
      %reduce_max3A_504 = arith.constant dense<0xFF800000> : vector<48xf32>
      %reduce_max3A_505 = vector.multi_reduction <maximumf>, %select_n3A_503, %reduce_max3A_504 [1] : vector<48x256xf32> to vector<48xf32>
      %broadcast_in_dim3A_506 = vector.shape_cast %reduce_max3A_505 : vector<48xf32> to vector<48x1xf32>
      %eq3A_507 = vector.broadcast %broadcast_in_dim3A_506 : vector<48x1xf32> to vector<48x256xf32>
      %eq3A_508 = arith.cmpf oeq, %select_n3A_503, %eq3A_507 : vector<48x256xf32>
      %jit3A_509 = arith.constant 256 : i32
      %broadcast_in_dim3A_510 = vector.broadcast %jit3A_509 : i32 to vector<48x256xi32>
      %select_n3A_511 = arith.select %eq3A_508, %iota3A, %broadcast_in_dim3A_510 : vector<48x256xi1>, vector<48x256xi32>
      %reduce_min3A_512 = arith.constant dense<2147483647> : vector<48xi32>
      %reduce_min3A_513 = vector.multi_reduction <minsi>, %select_n3A_511, %reduce_min3A_512 [1] : vector<48x256xi32> to vector<48xi32>
      %broadcast_in_dim3A_514 = vector.shape_cast %reduce_min3A_513 : vector<48xi32> to vector<48x1xi32>
      %eq3A_515 = vector.broadcast %broadcast_in_dim3A_514 : vector<48x1xi32> to vector<48x256xi32>
      %eq3A_516 = arith.cmpi eq, %iota3A, %eq3A_515 : vector<48x256xi32>
      %jit3A_517 = arith.constant -1.000000e+00 : f32
      %broadcast_in_dim3A_518 = vector.broadcast %jit3A_517 : f32 to vector<48x256xf32>
      %select_n3A_519 = arith.select %eq3A_516, %broadcast_in_dim3A_518, %select_n3A_503 : vector<48x256xi1>, vector<48x256xf32>
      %reduce_max3A_520 = arith.constant dense<0xFF800000> : vector<48xf32>
      %reduce_max3A_521 = vector.multi_reduction <maximumf>, %select_n3A_519, %reduce_max3A_520 [1] : vector<48x256xf32> to vector<48xf32>
      %broadcast_in_dim3A_522 = vector.shape_cast %reduce_max3A_521 : vector<48xf32> to vector<48x1xf32>
      %eq3A_523 = vector.broadcast %broadcast_in_dim3A_522 : vector<48x1xf32> to vector<48x256xf32>
      %eq3A_524 = arith.cmpf oeq, %select_n3A_519, %eq3A_523 : vector<48x256xf32>
      %jit3A_525 = arith.constant 256 : i32
      %broadcast_in_dim3A_526 = vector.broadcast %jit3A_525 : i32 to vector<48x256xi32>
      %select_n3A_527 = arith.select %eq3A_524, %iota3A, %broadcast_in_dim3A_526 : vector<48x256xi1>, vector<48x256xi32>
      %reduce_min3A_528 = arith.constant dense<2147483647> : vector<48xi32>
      %reduce_min3A_529 = vector.multi_reduction <minsi>, %select_n3A_527, %reduce_min3A_528 [1] : vector<48x256xi32> to vector<48xi32>
      %broadcast_in_dim3A_530 = vector.shape_cast %reduce_min3A_529 : vector<48xi32> to vector<48x1xi32>
      %eq3A_531 = vector.broadcast %broadcast_in_dim3A_530 : vector<48x1xi32> to vector<48x256xi32>
      %eq3A_532 = arith.cmpi eq, %iota3A, %eq3A_531 : vector<48x256xi32>
      %jit3A_533 = arith.constant -1.000000e+00 : f32
      %broadcast_in_dim3A_534 = vector.broadcast %jit3A_533 : f32 to vector<48x256xf32>
      %select_n3A_535 = arith.select %eq3A_532, %broadcast_in_dim3A_534, %select_n3A_519 : vector<48x256xi1>, vector<48x256xf32>
      %reduce_max3A_536 = arith.constant dense<0xFF800000> : vector<48xf32>
      %reduce_max3A_537 = vector.multi_reduction <maximumf>, %select_n3A_535, %reduce_max3A_536 [1] : vector<48x256xf32> to vector<48xf32>
      %broadcast_in_dim3A_538 = vector.shape_cast %reduce_max3A_537 : vector<48xf32> to vector<48x1xf32>
      %eq3A_539 = vector.broadcast %broadcast_in_dim3A_538 : vector<48x1xf32> to vector<48x256xf32>
      %eq3A_540 = arith.cmpf oeq, %select_n3A_535, %eq3A_539 : vector<48x256xf32>
      %jit3A_541 = arith.constant 256 : i32
      %broadcast_in_dim3A_542 = vector.broadcast %jit3A_541 : i32 to vector<48x256xi32>
      %select_n3A_543 = arith.select %eq3A_540, %iota3A, %broadcast_in_dim3A_542 : vector<48x256xi1>, vector<48x256xi32>
      %reduce_min3A_544 = arith.constant dense<2147483647> : vector<48xi32>
      %reduce_min3A_545 = vector.multi_reduction <minsi>, %select_n3A_543, %reduce_min3A_544 [1] : vector<48x256xi32> to vector<48xi32>
      %broadcast_in_dim3A_546 = vector.shape_cast %reduce_min3A_545 : vector<48xi32> to vector<48x1xi32>
      %eq3A_547 = vector.broadcast %broadcast_in_dim3A_546 : vector<48x1xi32> to vector<48x256xi32>
      %eq3A_548 = arith.cmpi eq, %iota3A, %eq3A_547 : vector<48x256xi32>
      %jit3A_549 = arith.constant -1.000000e+00 : f32
      %broadcast_in_dim3A_550 = vector.broadcast %jit3A_549 : f32 to vector<48x256xf32>
      %select_n3A_551 = arith.select %eq3A_548, %broadcast_in_dim3A_550, %select_n3A_535 : vector<48x256xi1>, vector<48x256xf32>
      %reduce_max3A_552 = arith.constant dense<0xFF800000> : vector<48xf32>
      %reduce_max3A_553 = vector.multi_reduction <maximumf>, %select_n3A_551, %reduce_max3A_552 [1] : vector<48x256xf32> to vector<48xf32>
      %broadcast_in_dim3A_554 = vector.shape_cast %reduce_max3A_553 : vector<48xf32> to vector<48x1xf32>
      %eq3A_555 = vector.broadcast %broadcast_in_dim3A_554 : vector<48x1xf32> to vector<48x256xf32>
      %eq3A_556 = arith.cmpf oeq, %select_n3A_551, %eq3A_555 : vector<48x256xf32>
      %jit3A_557 = arith.constant 256 : i32
      %broadcast_in_dim3A_558 = vector.broadcast %jit3A_557 : i32 to vector<48x256xi32>
      %select_n3A_559 = arith.select %eq3A_556, %iota3A, %broadcast_in_dim3A_558 : vector<48x256xi1>, vector<48x256xi32>
      %reduce_min3A_560 = arith.constant dense<2147483647> : vector<48xi32>
      %reduce_min3A_561 = vector.multi_reduction <minsi>, %select_n3A_559, %reduce_min3A_560 [1] : vector<48x256xi32> to vector<48xi32>
      %broadcast_in_dim3A_562 = vector.shape_cast %reduce_min3A_561 : vector<48xi32> to vector<48x1xi32>
      %eq3A_563 = vector.broadcast %broadcast_in_dim3A_562 : vector<48x1xi32> to vector<48x256xi32>
      %eq3A_564 = arith.cmpi eq, %iota3A, %eq3A_563 : vector<48x256xi32>
      %jit3A_565 = arith.constant -1.000000e+00 : f32
      %broadcast_in_dim3A_566 = vector.broadcast %jit3A_565 : f32 to vector<48x256xf32>
      %select_n3A_567 = arith.select %eq3A_564, %broadcast_in_dim3A_566, %select_n3A_551 : vector<48x256xi1>, vector<48x256xf32>
      %reduce_max3A_568 = arith.constant dense<0xFF800000> : vector<48xf32>
      %reduce_max3A_569 = vector.multi_reduction <maximumf>, %select_n3A_567, %reduce_max3A_568 [1] : vector<48x256xf32> to vector<48xf32>
      %broadcast_in_dim3A_570 = vector.shape_cast %reduce_max3A_569 : vector<48xf32> to vector<48x1xf32>
      %eq3A_571 = vector.broadcast %broadcast_in_dim3A_570 : vector<48x1xf32> to vector<48x256xf32>
      %eq3A_572 = arith.cmpf oeq, %select_n3A_567, %eq3A_571 : vector<48x256xf32>
      %jit3A_573 = arith.constant 256 : i32
      %broadcast_in_dim3A_574 = vector.broadcast %jit3A_573 : i32 to vector<48x256xi32>
      %select_n3A_575 = arith.select %eq3A_572, %iota3A, %broadcast_in_dim3A_574 : vector<48x256xi1>, vector<48x256xi32>
      %reduce_min3A_576 = arith.constant dense<2147483647> : vector<48xi32>
      %reduce_min3A_577 = vector.multi_reduction <minsi>, %select_n3A_575, %reduce_min3A_576 [1] : vector<48x256xi32> to vector<48xi32>
      %broadcast_in_dim3A_578 = vector.shape_cast %reduce_min3A_577 : vector<48xi32> to vector<48x1xi32>
      %eq3A_579 = vector.broadcast %broadcast_in_dim3A_578 : vector<48x1xi32> to vector<48x256xi32>
      %eq3A_580 = arith.cmpi eq, %iota3A, %eq3A_579 : vector<48x256xi32>
      %jit3A_581 = arith.constant -1.000000e+00 : f32
      %broadcast_in_dim3A_582 = vector.broadcast %jit3A_581 : f32 to vector<48x256xf32>
      %select_n3A_583 = arith.select %eq3A_580, %broadcast_in_dim3A_582, %select_n3A_567 : vector<48x256xi1>, vector<48x256xf32>
      %reduce_max3A_584 = arith.constant dense<0xFF800000> : vector<48xf32>
      %reduce_max3A_585 = vector.multi_reduction <maximumf>, %select_n3A_583, %reduce_max3A_584 [1] : vector<48x256xf32> to vector<48xf32>
      %broadcast_in_dim3A_586 = vector.shape_cast %reduce_max3A_585 : vector<48xf32> to vector<48x1xf32>
      %eq3A_587 = vector.broadcast %broadcast_in_dim3A_586 : vector<48x1xf32> to vector<48x256xf32>
      %eq3A_588 = arith.cmpf oeq, %select_n3A_583, %eq3A_587 : vector<48x256xf32>
      %jit3A_589 = arith.constant 256 : i32
      %broadcast_in_dim3A_590 = vector.broadcast %jit3A_589 : i32 to vector<48x256xi32>
      %select_n3A_591 = arith.select %eq3A_588, %iota3A, %broadcast_in_dim3A_590 : vector<48x256xi1>, vector<48x256xi32>
      %reduce_min3A_592 = arith.constant dense<2147483647> : vector<48xi32>
      %reduce_min3A_593 = vector.multi_reduction <minsi>, %select_n3A_591, %reduce_min3A_592 [1] : vector<48x256xi32> to vector<48xi32>
      %broadcast_in_dim3A_594 = vector.shape_cast %reduce_min3A_593 : vector<48xi32> to vector<48x1xi32>
      %eq3A_595 = vector.broadcast %broadcast_in_dim3A_594 : vector<48x1xi32> to vector<48x256xi32>
      %eq3A_596 = arith.cmpi eq, %iota3A, %eq3A_595 : vector<48x256xi32>
      %jit3A_597 = arith.constant -1.000000e+00 : f32
      %broadcast_in_dim3A_598 = vector.broadcast %jit3A_597 : f32 to vector<48x256xf32>
      %select_n3A_599 = arith.select %eq3A_596, %broadcast_in_dim3A_598, %select_n3A_583 : vector<48x256xi1>, vector<48x256xf32>
      %reduce_max3A_600 = arith.constant dense<0xFF800000> : vector<48xf32>
      %reduce_max3A_601 = vector.multi_reduction <maximumf>, %select_n3A_599, %reduce_max3A_600 [1] : vector<48x256xf32> to vector<48xf32>
      %broadcast_in_dim3A_602 = vector.shape_cast %reduce_max3A_601 : vector<48xf32> to vector<48x1xf32>
      %eq3A_603 = vector.broadcast %broadcast_in_dim3A_602 : vector<48x1xf32> to vector<48x256xf32>
      %eq3A_604 = arith.cmpf oeq, %select_n3A_599, %eq3A_603 : vector<48x256xf32>
      %jit3A_605 = arith.constant 256 : i32
      %broadcast_in_dim3A_606 = vector.broadcast %jit3A_605 : i32 to vector<48x256xi32>
      %select_n3A_607 = arith.select %eq3A_604, %iota3A, %broadcast_in_dim3A_606 : vector<48x256xi1>, vector<48x256xi32>
      %reduce_min3A_608 = arith.constant dense<2147483647> : vector<48xi32>
      %reduce_min3A_609 = vector.multi_reduction <minsi>, %select_n3A_607, %reduce_min3A_608 [1] : vector<48x256xi32> to vector<48xi32>
      %broadcast_in_dim3A_610 = vector.shape_cast %reduce_min3A_609 : vector<48xi32> to vector<48x1xi32>
      %eq3A_611 = vector.broadcast %broadcast_in_dim3A_610 : vector<48x1xi32> to vector<48x256xi32>
      %eq3A_612 = arith.cmpi eq, %iota3A, %eq3A_611 : vector<48x256xi32>
      %jit3A_613 = arith.constant -1.000000e+00 : f32
      %broadcast_in_dim3A_614 = vector.broadcast %jit3A_613 : f32 to vector<48x256xf32>
      %select_n3A_615 = arith.select %eq3A_612, %broadcast_in_dim3A_614, %select_n3A_599 : vector<48x256xi1>, vector<48x256xf32>
      %reduce_max3A_616 = arith.constant dense<0xFF800000> : vector<48xf32>
      %reduce_max3A_617 = vector.multi_reduction <maximumf>, %select_n3A_615, %reduce_max3A_616 [1] : vector<48x256xf32> to vector<48xf32>
      %broadcast_in_dim3A_618 = vector.shape_cast %reduce_max3A_617 : vector<48xf32> to vector<48x1xf32>
      %eq3A_619 = vector.broadcast %broadcast_in_dim3A_618 : vector<48x1xf32> to vector<48x256xf32>
      %eq3A_620 = arith.cmpf oeq, %select_n3A_615, %eq3A_619 : vector<48x256xf32>
      %jit3A_621 = arith.constant 256 : i32
      %broadcast_in_dim3A_622 = vector.broadcast %jit3A_621 : i32 to vector<48x256xi32>
      %select_n3A_623 = arith.select %eq3A_620, %iota3A, %broadcast_in_dim3A_622 : vector<48x256xi1>, vector<48x256xi32>
      %reduce_min3A_624 = arith.constant dense<2147483647> : vector<48xi32>
      %reduce_min3A_625 = vector.multi_reduction <minsi>, %select_n3A_623, %reduce_min3A_624 [1] : vector<48x256xi32> to vector<48xi32>
      %broadcast_in_dim3A_626 = vector.shape_cast %reduce_min3A_625 : vector<48xi32> to vector<48x1xi32>
      %eq3A_627 = vector.broadcast %broadcast_in_dim3A_626 : vector<48x1xi32> to vector<48x256xi32>
      %eq3A_628 = arith.cmpi eq, %iota3A, %eq3A_627 : vector<48x256xi32>
      %jit3A_629 = arith.constant -1.000000e+00 : f32
      %broadcast_in_dim3A_630 = vector.broadcast %jit3A_629 : f32 to vector<48x256xf32>
      %select_n3A_631 = arith.select %eq3A_628, %broadcast_in_dim3A_630, %select_n3A_615 : vector<48x256xi1>, vector<48x256xf32>
      %lt3A = arith.constant 0.000000e+00 : f32
      %lt3A_632 = vector.broadcast %lt3A : f32 to vector<48x256xf32>
      %lt3A_633 = arith.cmpf olt, %select_n3A_631, %lt3A_632 : vector<48x256xf32>
      %ge3A = arith.constant 0.000000e+00 : f32
      %ge3A_634 = vector.broadcast %ge3A : f32 to vector<48x256xf32>
      %ge3A_635 = arith.cmpf oge, %abs3A, %ge3A_634 : vector<48x256xf32>
      %and3A = arith.andi %lt3A_633, %ge3A_635 : vector<48x256xi1>
      %convert_element_type3A_636 = arith.extui %and3A : vector<48x256xi1> to vector<48x256xi32>
      %convert_element_type3A_637 = arith.sitofp %convert_element_type3A_636 : vector<48x256xi32> to vector<48x256xf32>
      %mul3A_638 = arith.mulf %abs3A, %convert_element_type3A_637 : vector<48x256xf32>
      %add3A_639 = arith.constant 1.000000e+00 : f32
      %add3A_640 = vector.broadcast %add3A_639 : f32 to vector<48x256xf32>
      %add3A_641 = arith.addf %add3A_640, %mul3A_638 : vector<48x256xf32>
      %log3A = math.log %add3A_641 : vector<48x256xf32>
      %mul3A_642 = arith.mulf %log3A, %convert_element_type3A_637 : vector<48x256xf32>
      %reduce_sum3A_643 = arith.constant dense<0.000000e+00> : vector<48xf32>
      %reduce_sum3A_644 = vector.multi_reduction <add>, %mul3A_638, %reduce_sum3A_643 [1] : vector<48x256xf32> to vector<48xf32>
      %broadcast_in_dim3A_645 = vector.shape_cast %reduce_sum3A_644 : vector<48xf32> to vector<48x1xf32>
      %mul3A_646 = arith.mulf %concatenate3A, %mul3A_638 : vector<48x256xf32>
      %reduce_sum3A_647 = arith.constant dense<0.000000e+00> : vector<48xf32>
      %reduce_sum3A_648 = vector.multi_reduction <add>, %mul3A_646, %reduce_sum3A_647 [1] : vector<48x256xf32> to vector<48xf32>
      %broadcast_in_dim3A_649 = vector.shape_cast %reduce_sum3A_648 : vector<48xf32> to vector<48x1xf32>
      %mul3A_650 = arith.mulf %concatenate3A_314, %mul3A_638 : vector<48x256xf32>
      %reduce_sum3A_651 = arith.constant dense<0.000000e+00> : vector<48xf32>
      %reduce_sum3A_652 = vector.multi_reduction <add>, %mul3A_650, %reduce_sum3A_651 [1] : vector<48x256xf32> to vector<48xf32>
      %broadcast_in_dim3A_653 = vector.shape_cast %reduce_sum3A_652 : vector<48xf32> to vector<48x1xf32>
      %mul3A_654 = arith.mulf %concatenate3A, %mul3A_642 : vector<48x256xf32>
      %reduce_sum3A_655 = arith.constant dense<0.000000e+00> : vector<48xf32>
      %reduce_sum3A_656 = vector.multi_reduction <add>, %mul3A_654, %reduce_sum3A_655 [1] : vector<48x256xf32> to vector<48xf32>
      %broadcast_in_dim3A_657 = vector.shape_cast %reduce_sum3A_656 : vector<48xf32> to vector<48x1xf32>
      %mul3A_658 = arith.mulf %concatenate3A_314, %mul3A_642 : vector<48x256xf32>
      %reduce_sum3A_659 = arith.constant dense<0.000000e+00> : vector<48xf32>
      %reduce_sum3A_660 = vector.multi_reduction <add>, %mul3A_658, %reduce_sum3A_659 [1] : vector<48x256xf32> to vector<48xf32>
      %broadcast_in_dim3A_661 = vector.shape_cast %reduce_sum3A_660 : vector<48xf32> to vector<48x1xf32>
      %sub3A_662 = arith.constant 1.000000e+00 : f32
      %sub3A_663 = vector.broadcast %sub3A_662 : f32 to vector<48x256xf32>
      %sub3A_664 = arith.subf %mul3A_638, %sub3A_663 : vector<48x256xf32>
      %exp3A = math.exp %sub3A_664 : vector<48x256xf32>
      %gt3A = arith.constant 0.000000e+00 : f32
      %gt3A_665 = vector.broadcast %gt3A : f32 to vector<48x256xf32>
      %gt3A_666 = arith.cmpf ogt, %mul3A_638, %gt3A_665 : vector<48x256xf32>
      %convert_element_type3A_667 = arith.extui %gt3A_666 : vector<48x256xi1> to vector<48x256xi32>
      %convert_element_type3A_668 = arith.sitofp %convert_element_type3A_667 : vector<48x256xi32> to vector<48x256xf32>
      %mul3A_669 = arith.mulf %exp3A, %convert_element_type3A_668 : vector<48x256xf32>
      %mul3A_670 = arith.mulf %mul3A_669, %convert_element_type3A_637 : vector<48x256xf32>
      %reduce_sum3A_671 = arith.constant dense<0.000000e+00> : vector<48xf32>
      %reduce_sum3A_672 = vector.multi_reduction <add>, %mul3A_670, %reduce_sum3A_671 [1] : vector<48x256xf32> to vector<48xf32>
      %broadcast_in_dim3A_673 = vector.shape_cast %reduce_sum3A_672 : vector<48xf32> to vector<48x1xf32>
      %exp3A_674 = arith.constant -1.000000e+00 : f32
      %exp3A_675 = math.exp %exp3A_674 : f32
      %add3A_676 = vector.broadcast %exp3A_675 : f32 to vector<48x1xf32>
      %add3A_677 = arith.addf %add3A_676, %broadcast_in_dim3A_673 : vector<48x1xf32>
      %log3A_678 = math.log %add3A_677 : vector<48x1xf32>
      %add3A_679 = arith.constant 1.000000e+00 : f32
      %add3A_680 = vector.broadcast %add3A_679 : f32 to vector<48x1xf32>
      %add3A_681 = arith.addf %log3A_678, %add3A_680 : vector<48x1xf32>
      %concatenate3A_682 = tpu.concatenate %broadcast_in_dim3A_645, %broadcast_in_dim3A_649, %broadcast_in_dim3A_653, %broadcast_in_dim3A_657, %broadcast_in_dim3A_661, %add3A_681 in 1 : vector<48x1xf32>, vector<48x1xf32>, vector<48x1xf32>, vector<48x1xf32>, vector<48x1xf32>, vector<48x1xf32> -> vector<48x6xf32>
      %reshape3A = vector.shape_cast %concatenate3A_682 : vector<48x6xf32> to vector<3x16x6xf32>
      %reduce_sum3A_683 = arith.constant dense<0.000000e+00> : vector<3x6xf32>
      %reduce_sum3A_684 = vector.multi_reduction <add>, %reshape3A, %reduce_sum3A_683 [1] : vector<3x16x6xf32> to vector<3x6xf32>
      %broadcast_in_dim3A_685 = vector.shape_cast %reduce_sum3A_684 : vector<3x6xf32> to vector<3x1x6xf32>
      %div3A_686 = arith.constant 1.600000e+01 : f32
      %div3A_687 = vector.broadcast %div3A_686 : f32 to vector<3x1x6xf32>
      %div3A_688 = arith.divf %broadcast_in_dim3A_685, %div3A_687 : vector<3x1x6xf32>
      %sub3A_689 = vector.broadcast %div3A_688 : vector<3x1x6xf32> to vector<3x16x6xf32>
      %sub3A_690 = arith.subf %reshape3A, %sub3A_689 : vector<3x16x6xf32>
      %integer_pow3A_691 = arith.mulf %sub3A_690, %sub3A_690 : vector<3x16x6xf32>
      %reduce_sum3A_692 = arith.constant dense<0.000000e+00> : vector<3x6xf32>
      %reduce_sum3A_693 = vector.multi_reduction <add>, %integer_pow3A_691, %reduce_sum3A_692 [1] : vector<3x16x6xf32> to vector<3x6xf32>
      %broadcast_in_dim3A_694 = vector.shape_cast %reduce_sum3A_693 : vector<3x6xf32> to vector<3x1x6xf32>
      %div3A_695 = arith.constant 1.600000e+01 : f32
      %div3A_696 = vector.broadcast %div3A_695 : f32 to vector<3x1x6xf32>
      %div3A_697 = arith.divf %broadcast_in_dim3A_694, %div3A_696 : vector<3x1x6xf32>
      %sub3A_698 = vector.broadcast %div3A_688 : vector<3x1x6xf32> to vector<3x16x6xf32>
      %sub3A_699 = arith.subf %reshape3A, %sub3A_698 : vector<3x16x6xf32>
      %add3A_700 = arith.constant 9.99999974E-6 : f32
      %add3A_701 = vector.broadcast %add3A_700 : f32 to vector<3x1x6xf32>
      %add3A_702 = arith.addf %div3A_697, %add3A_701 : vector<3x1x6xf32>
      %sqrt3A_703 = math.sqrt %add3A_702 : vector<3x1x6xf32>
      %div3A_704 = vector.broadcast %sqrt3A_703 : vector<3x1x6xf32> to vector<3x16x6xf32>
      %div3A_705 = arith.divf %sub3A_699, %div3A_704 : vector<3x16x6xf32>
      %get3A_706 = arith.constant 0 : index
      %get3A_707 = arith.constant 0 : index
      %get3A_708 = vector.load %arg8[%get3A_706, %get3A_707] : memref<3x6xf32, #tpu.memory_space<vmem>>, vector<3x6xf32>
      %broadcast_in_dim3A_709 = vector.shape_cast %get3A_708 : vector<3x6xf32> to vector<3x1x6xf32>
      %mul3A_710 = vector.broadcast %broadcast_in_dim3A_709 : vector<3x1x6xf32> to vector<3x16x6xf32>
      %mul3A_711 = arith.mulf %div3A_705, %mul3A_710 : vector<3x16x6xf32>
      %reduce_sum3A_712 = arith.constant dense<0.000000e+00> : vector<3x16xf32>
      %reduce_sum3A_713 = vector.multi_reduction <add>, %mul3A_711, %reduce_sum3A_712 [2] : vector<3x16x6xf32> to vector<3x16xf32>
      %broadcast_in_dim3A_714 = vector.shape_cast %reduce_sum3A_713 : vector<3x16xf32> to vector<3x16x1xf32>
      %reduce_sum3A_715 = arith.constant dense<0.000000e+00> : vector<16x1xf32>
      %reduce_sum3A_716 = vector.multi_reduction <add>, %broadcast_in_dim3A_714, %reduce_sum3A_715 [0] : vector<3x16x1xf32> to vector<16x1xf32>
      %get3A_717 = arith.constant 0 : index
      %get3A_718 = arith.constant 0 : index
      %get3A_719 = vector.load %arg9[%get3A_717, %get3A_718] : memref<1x1xf32, #tpu.memory_space<vmem>>, vector<1x1xf32>
      %add3A_720 = vector.broadcast %get3A_719 : vector<1x1xf32> to vector<16x1xf32>
      %add3A_721 = arith.addf %reduce_sum3A_716, %add3A_720 : vector<16x1xf32>
      %swap3A_722 = arith.constant 0 : index
      %swap3A_723 = arith.constant 0 : index
      %swap3A_724 = vector.load %arg11[%swap3A_722, %swap3A_723] : memref<16x1xf32, #tpu.memory_space<vmem>>, vector<16x1xf32>
      tpu.vector_store %arg11[%swap3A_722, %swap3A_723], %add3A_721 {strides = array<i32>} : memref<16x1xf32, #tpu.memory_space<vmem>>, vector<16x1xf32>,
    } else {
    }
    return
  }
  func.func @transform_0(%arg0: i32) -> (i32, i32, i32) {
    %c0_i32 = arith.constant 0 : i32
    %c0_i32_0 = arith.constant 0 : i32
    %c0_i32_1 = arith.constant 0 : i32
    return %arg0, %c0_i32, %c0_i32_0 : i32, i32, i32
  }
  func.func @transform_1(%arg0: i32) -> (i32, i32) {
    %c0_i32 = arith.constant 0 : i32
    %c0_i32_0 = arith.constant 0 : i32
    %c0_i32_1 = arith.constant 0 : i32
    return %c0_i32, %c0_i32_0 : i32, i32
  }
  func.func @transform_2(%arg0: i32) -> (i32, i32) {
    %c0_i32 = arith.constant 0 : i32
    %c0_i32_0 = arith.constant 0 : i32
    %c0_i32_1 = arith.constant 0 : i32
    return %c0_i32, %c0_i32_0 : i32, i32
  }
  func.func @transform_3(%arg0: i32) -> (i32, i32) {
    %c0_i32 = arith.constant 0 : i32
    %c0_i32_0 = arith.constant 0 : i32
    %c0_i32_1 = arith.constant 0 : i32
    return %c0_i32, %c0_i32_0 : i32, i32
  }
  func.func @transform_4(%arg0: i32) -> (i32, i32) {
    %c0_i32 = arith.constant 0 : i32
    %c0_i32_0 = arith.constant 0 : i32
    %c0_i32_1 = arith.constant 0 : i32
    return %c0_i32, %c0_i32_0 : i32, i32
  }
  func.func @transform_5(%arg0: i32) -> (i32, i32) {
    %c0_i32 = arith.constant 0 : i32
    %c0_i32_0 = arith.constant 0 : i32
    %c0_i32_1 = arith.constant 0 : i32
    return %c0_i32, %c0_i32_0 : i32, i32
  }
  func.func @transform_6(%arg0: i32) -> (i32, i32) {
    %c0_i32 = arith.constant 0 : i32
    %c0_i32_0 = arith.constant 0 : i32
    %c0_i32_1 = arith.constant 0 : i32
    return %c0_i32, %c0_i32_0 : i32, i32
  }
  func.func @transform_7(%arg0: i32) -> (i32, i32) {
    %c0_i32 = arith.constant 0 : i32
    %c0_i32_0 = arith.constant 0 : i32
    %c0_i32_1 = arith.constant 0 : i32
    return %c0_i32, %c0_i32_0 : i32, i32
  }
  func.func @transform_8(%arg0: i32) -> (i32, i32) {
    %c0_i32 = arith.constant 0 : i32
    %c0_i32_0 = arith.constant 0 : i32
    %c0_i32_1 = arith.constant 0 : i32
    return %c0_i32, %c0_i32_0 : i32, i32
  }
  func.func @transform_9(%arg0: i32) -> (i32, i32, i32) {
    %c0_i32 = arith.constant 0 : i32
    %c0_i32_0 = arith.constant 0 : i32
    %c0_i32_1 = arith.constant 0 : i32
    return %arg0, %c0_i32, %c0_i32_0 : i32, i32, i32
  }
  func.func @transform_10(%arg0: i32) -> (i32, i32) {
    %c0_i32 = arith.constant 0 : i32
    %c0_i32_0 = arith.constant 0 : i32
    %c0_i32_1 = arith.constant 0 : i32
    return %c0_i32, %c0_i32_0 : i32, i32
  }
}

</mosaic_0001>

<sc_bundles>
// kernel: kernel.4.cloned.1.call-start
scs
__scs_entry_jumppad:
0x0: {  	(pc) =	sbr.rel $0x88, $3  }
0x1: {  	(tag) =	ssettag $0x0;
	lr =	simm.s32 $0x1  }
0x2: {  	[smem:$0x3F95] =	sst lr;
	_ =	strace $0xD0000000  }
0x3: {  	_ = 	snop  }
0x4: {  	_ = 	snop  }
0x5: {  	_ = 	snop  }
0x6: {  	_ = 	snop  }
0x7: {  	_ = 	snop  }
__scs_overlays_trampoline_lowered:
0x8: {  	[smem:$0x3FA4] =	sst s0  }
0x9: {  	[smem:$0x3FA5] =	sst s1  }
0xa: {  	[smem:$0x3FA6] =	sst s2  }
0xb: {  	[smem:$0x3FA7] =	sst s3  }
0xc: {  	[smem:$0x3FA8] =	sst s4  }
0xd: {  	[smem:$0x3FA9] =	sst s5  }
0xe: {  	[smem:$0x3FAA] =	sst s6  }
0xf: {  	[smem:$0x3FAB] =	sst s7  }
0x10: {  	[smem:$0x3FAC] =	sst s8  }
0x11: {  	[smem:$0x3FAD] =	sst s9;
	s0 =	simm.s32 @!p0 $0x0  }
0x12: {  	s1 =	sld [smem:$0x3F93];
	s0 =	simm.s32 @p0 $0x1  }
0x13: {  	[smem:$0x3FAE] =	sst s0;
	s0 =	simm.s32 @!p1 $0x0  }
0x14: {  	s2 =	sld [smem:$0x3F92];
	s0 =	simm.s32 @p1 $0x1  }
0x15: {  	[smem:$0x3FAF] =	sst s0;
	s0 =	simm.s32 @!p2 $0x0  }
0x16: {  	s3 =	sld [smem:$0x3FDB];
	s0 =	simm.s32 @p2 $0x1  }
0x17: {  	s4 =	simm.s32 $0x1BF5;
	[smem:$0x3FB1] =	sst s0  }
0x18: {  	s0 =	sld [smem:$0x3F94];
	_ =	swait.ge [sflag:s4], $0x0  }
0x19: {  	s7 =	sld [smem:$0x3F95]  }
0x1a: {  	s8 =	sadd.s32 $0xFFFFE003, lr  }
0x1b: {  	s9 =	sadd.s32 $0xFFFFFEF7, lr;
	s5 =	simm.s32 $0xFFFFFFFF;
	p2 =	slt.u32 s8, $0xFFFFF086  }
0x1c: {  	p1 =	slt.u32 s9, $0xF7A;
	s5 =	simm.s32 @!p2 $0x0  }
0x1d: {  	s5 =	simm.s32 @p1 $0x1;
	p0 =	seq.s32 s7, s2  }
0x1e: {  	s7 =	smul.u32 @!p0 $0xF7A, s2;
	p2 =	seq.s32 @!p0 s5, $0x0  }
0x1f: {  	s9 =	smul.u32 $0xF7A, s1;
	s8 =	simm.s32 @!p0 $0x1BF5;
	p2 =	por !p2, p0  }
0x20: {  	[sflag:s8] =	ssyncset.s32 @!p0 $0xFFFFF086;
	s6 =	sadd.s32 @!p0 s3, s7;
	s7 =	simm.s32 @!p0 $0x108  }
0x21: {  	s3 =	sadd.s32 s3, s9;
	s6 =	sadd.s32 @!p0 $0x88, s6;
	s7 =	simm.s32 @p2 $0x1082  }
0x22: {  	[simem:s7], [sflag:s8] =	dma.local @!p0 [hbm:s6], $0xF7A  }
0x23: {  	s9 =	sor.u32 $0xD0000000, s2;
	s6 =	simm.s32 $0x108;
	_ =	swait.ge @!p0 [sflag:s8], $0x0  }
0x24: {  	s3 =	sadd.s32 $0x88, s3;
	s6 =	simm.s32 @!p1 $0x1082;
	[sflag:s4] =	ssyncset.s32 $0xFFFFF086  }
0x25: {  	[simem:s6], [sflag:s4] =	dma.local [hbm:s3], $0xF7A  }
0x26: {  	[smem:$0x3F95] =	sst s1;
	(tag) =	ssettag s2;
	_ =	strace s9  }
0x27: {  	s1 =	sld [smem:$0x3FA5]  }
0x28: {  	s2 =	sld [smem:$0x3FA6]  }
0x29: {  	s4 =	sld [smem:$0x3FA8]  }
0x2a: {  	p0 =	seq.s32 s5, $0x0;
	s5 =	sld [smem:$0x3FA9]  }
0x2b: {  	s6 =	sld [smem:$0x3FAA]  }
0x2c: {  	s7 =	sld [smem:$0x3FAB]  }
0x2d: {  	s3 =	simm.s32 $0x108;
	s8 =	sld [smem:$0x3FAC]  }
0x2e: {  	s3 =	simm.s32 @!p0 $0x1082;
	s9 =	sld [smem:$0x3FAD]  }
0x2f: {  	lr =	sadd.s32 s0, s3;
	s0 =	sld [smem:$0x3FA4]  }
0x30: {  	s3 =	sld [smem:$0x3FA7]  }
0x31: {  	[smem:$0x3FB0] =	sst s10  }
0x32: {  	s10 =	sld [smem:$0x3FAE];
	_ =	sdelay $0x3  }
0x33: {  	p0 =	seq.s32 s10, $0x1;
	s10 =	sld [smem:$0x3FB0];
	_ =	sdelay $0x3  }
0x34: {  	[smem:$0x3FB0] =	sst s10  }
0x35: {  	s10 =	sld [smem:$0x3FAF];
	_ =	sdelay $0x3  }
0x36: {  	p1 =	seq.s32 s10, $0x1;
	s10 =	sld [smem:$0x3FB0];
	_ =	sdelay $0x3  }
0x37: {  	[smem:$0x3FB0] =	sst s10  }
0x38: {  	s10 =	sld [smem:$0x3FB1]  }
0x39: {  	_ = 	snop;
	(pc) =	sbr.ind lr, $3  }
0x3a: {  	_ = 	snop  }
0x3b: {  	_ = 	snop  }
0x3c: {  	p2 =	seq.s32 s10, $0x1;
	s10 =	sld [smem:$0x3FB0]  }
0x3d: {  	_ =	shalt  }
0x3e: {  	_ =	shalt  }
0x3f: {  	_ =	shalt  }
0x40: {  	_ =	shalt  }
0x41: {  	_ =	shalt  }
0x42: {  	_ =	shalt  }
0x43: {  	_ =	shalt  }
0x44: {  	_ =	shalt  }
0x45: {  	_ =	shalt  }
0x46: {  	_ =	shalt  }
0x47: {  	_ =	shalt  }
0x48: {  	_ =	shalt  }
0x49: {  	_ =	shalt  }
0x4a: {  	_ =	shalt  }
0x4b: {  	_ =	shalt  }
0x4c: {  	_ =	shalt  }
0x4d: {  	_ =	shalt  }
0x4e: {  	_ =	shalt  }
0x4f: {  	_ =	shalt  }
0x50: {  	_ =	shalt  }
0x51: {  	_ =	shalt  }
0x52: {  	_ =	shalt  }
0x53: {  	_ =	shalt  }
0x54: {  	_ =	shalt  }
0x55: {  	_ =	shalt  }
0x56: {  	_ =	shalt  }
0x57: {  	_ =	shalt  }
0x58: {  	_ =	shalt  }
0x59: {  	_ =	shalt  }
0x5a: {  	_ =	shalt  }
0x5b: {  	_ =	shalt  }
0x5c: {  	_ =	shalt  }
0x5d: {  	_ =	shalt  }
0x5e: {  	_ =	shalt  }
0x5f: {  	_ =	shalt  }
0x60: {  	_ =	shalt  }
0x61: {  	_ =	shalt  }
0x62: {  	_ =	shalt  }
0x63: {  	_ =	shalt  }
0x64: {  	_ =	shalt  }
0x65: {  	_ =	shalt  }
0x66: {  	_ =	shalt  }
0x67: {  	_ =	shalt  }
0x68: {  	_ =	shalt  }
0x69: {  	_ =	shalt  }
0x6a: {  	_ =	shalt  }
0x6b: {  	_ =	shalt  }
0x6c: {  	_ =	shalt  }
0x6d: {  	_ =	shalt  }
0x6e: {  	_ =	shalt  }
0x6f: {  	_ =	shalt  }
0x70: {  	_ =	shalt  }
0x71: {  	_ =	shalt  }
0x72: {  	_ =	shalt  }
0x73: {  	_ =	shalt  }
0x74: {  	_ =	shalt  }
0x75: {  	_ =	shalt  }
0x76: {  	_ =	shalt  }
0x77: {  	_ =	shalt  }
0x78: {  	_ =	shalt  }
0x79: {  	_ =	shalt  }
0x7a: {  	_ =	shalt  }
0x7b: {  	_ =	shalt  }
0x7c: {  	_ =	shalt  }
0x7d: {  	_ =	shalt  }
0x7e: {  	_ =	shalt  }
0x7f: {  	_ =	shalt  }
0x80: {  	_ =	shalt  }
0x81: {  	_ =	shalt  }
0x82: {  	_ =	shalt  }
0x83: {  	_ =	shalt  }
0x84: {  	_ =	shalt  }
0x85: {  	_ =	shalt  }
0x86: {  	_ =	shalt  }
0x87: {  	_ =	shalt  }
.Lfunc_end0:
.L_simem_size_0:
called_computation_lowered:
.L_overlay_start_0:
0x88: {  	s2 =	sld [smem:$0x3FD9]  }
0x89: {  	s3 =	sld [smem:$0x3FFE];
	_ =	sdelay $0x1  }
0x8a: {  	s1 =	srdreg.scid  }
0x8b: {  	s0 =	sand.u32 $0x1, s1  }
0x8c: {  	s17 =	sshll.u32 s0, $0xA;
	s2 =	sadd.s32 s3, s2  }
0x8d: {  	s2 =	sadd.s32 s2, s17  }
0x8e: {  	[smem:$0x3FBC] =	sst s2  }
0x8f: {  	_ = 	snop  }
0x90: {  	s2 =	sld [smem:$0x3FC8];
	(tm) =	ssettm $0x1  }
0x91: {  	s18 =	sld [smem:$0x3FFB];
	_ =	sdelay $0x3  }
0x92: {  	_ =	strace s18  }
0x93: {  	s3 =	sld [smem:$0x3FFC];
	_ =	sdelay $0x3  }
0x94: {  	_ =	strace s3  }
0x95: {  	s3 =	sld [smem:$0x3FFD];
	_ =	sdelay $0x3  }
0x96: {  	_ =	strace s3  }
0x97: {  	_ =	strace $0x8FFFFFFF  }
0x98: {  	s19 =	sld [smem:$0x3FDB];
	_ =	sdelay $0x1  }
0x99: {  	s4 =	simm.s32 $_scs_section_size  }
0x9a: {  	s5 =	simm.s32 $_size__tile_overlayer_lowered;
	s6 =	simm.s32 $_tile_overlayer_lowered  }
0x9b: {  	s22 =	simm.s32 $0x1BFF;
	s21 =	sshll.u32 s6, $0x1;
	s3 =	sadd.s32 s4, s19  }
0x9c: {  	s7 =	simm.s32 $0x0;
	s20 =	sshll.u32 s5, $0x1;
	s5 =	sadd.s32 s21, s3  }
0x9d: {  	[timem:s7], [sflag:s22] =	dma.local [hbm:s5], s20  }
0x9e: {  	_ =	swait.ge [sflag:s22], s20  }
0x9f: {  	s4 =	ssub.s32 $0x0, s20;
	[sflag:s22] =	ssyncset.done $0x0  }
0xa0: {  	[sflag:s22] =	ssyncadd.s32 s4;
	_ =	sdelay $0x1  }
0xa1: {  	s23 =	simm.s32 $0x1B8B  }
0xa2: {  	_ =	swait.ge [sflag:s23], $0x1  }
0xa3: {  	[sflag:s23] =	ssyncset.done $0x0  }
0xa4: {  	s25 =	simm.s32 $0x1B8E;
	s24 =	sld [smem:$0x3FFE];
	[sflag:s23] =	ssyncadd.s32 $0xFFFFFFFF  }
0xa5: {  	s26 =	simm.s32 $execute0_lowered;
	[smem:$0x3FD2] =	sst s25  }
0xa6: {  	s5 =	sshll.u32 s26, $0x1;
	_ =	strace $0x80000046;
	[dreg:$0x1] =	wrdreg $0xFFFFFFFF  }
0xa7: {  	s28 =	simm.s32 $_size_execute0_lowered;
	s3 =	sadd.s32 s3, s5;
	[dreg:$0x0] =	wrdreg $0x0  }
0xa8: {  	s5 =	sshll.u32 s28, $0x1;
	[dreg:$0x2] =	wrdreg s3  }
0xa9: {  	[dreg:$0x3] =	wrdreg s5  }
0xaa: {  	[dreg:$0x4] =	wrdreg $0xC0  }
0xab: {  	_ =	task [dreg:s7], $0x5FFFF  }
0xac: {  	[dreg:$0x1] =	wrdreg $0xFFFFFFFF  }
0xad: {  	[dreg:$0x0] =	wrdreg $0x60  }
0xae: {  	[dreg:$0x2] =	wrdreg s2  }
0xaf: {  	[dreg:$0x3] =	wrdreg s24  }
0xb0: {  	[dreg:$0x4] =	wrdreg $0x9  }
0xb1: {  	_ =	task.clear_ibuf [dreg:s7], $0x5FFFF;
	_ =	strace $0x90000046  }
0xb2: {  	s29 =	simm.s32 $0x9;
	_ =	strace $0x80000048  }
0xb3: {  	_ =	swait.ge [sflag:s29], $0x1  }
0xb4: {  	[sflag:s29] =	ssyncadd.s32 $0xFFFFFFFF  }
0xb5: {  	_ =	strace $0x90000048  }
0xb6: {  	_ =	sfence  }
0xb7: {  	s30 =	sld [smem:$0x0];
	_ =	sdelay $0x2  }
0xb8: {  	s31 =	sshll.u32 s1, $0xD;
	s1 =	sshrl.u32 s1, $0x2  }
0xb9: {  	s3 =	sand.u32 $0x4000, s31;
	s1 =	sadd.s32 s1, s30  }
0xba: {  	s0 =	sor.u32 s3, s0;
	s1 =	sshll.u32 s1, $0x11  }
0xbb: {  	s0 =	sor.u32 s1, s0  }
0xbc: {  	s0 =	sadd.s32 $0x8F2B, s0  }
0xbd: {  	[sflag:s0] =	ssyncadd.remote.s32 $0x1  }
0xbe: {  	_ =	sfence.sel $0xFFFF  }
0xbf: {  	[dreg:$0x0] =	wrdreg $0xFFFFFFFF;
	(pc) =	sbr.abs _section_cstart, $3  }
0xc0: {  	[dreg:$0x1] =	wrdreg $0xFFFFFFFF  }
0xc1: {  	_ =	task.clear_ibuf [dreg:s7], $0x2FFFF;
	_ =	strace $0x9FFFFFFF  }
0xc2: {  	(tm) =	ssettm $0x7FFFFFFF  }
0xc3: {  	_ =	shalt  }
tec
execute0_lowered:
.L_overlay_start_1:
0x0: {  	(tag) =	ssettag $0x1  }
0x1: {  	s1 =	srdreg.scid;
	s0 =	stileid.u32  }
0x2: {  	s2 =	rddreg [dreg:$0x0];
	s18 =	sand.u32 $0x1, s1;
	s29 =	sshll.u32 s0, $0x1  }
0x3: {  	s19 =	rddreg [dreg:$0x1];
	s20 =	sor.u32 s18, s29  }
0x4: {  	s3 =	simm.s32 $0x0;
	s1 =	rddreg [dreg:$0x2];
	s4 =	sshll.u32 s20, $0x7  }
0x5: {  	[smem:$0x7FF] =	sst s3;
	s4 =	sadd.s32 s4, s19  }
0x6: {  	_ =	strace $0x80000047;
	s5 =	sadd.s32 $0x1000, s4;
	s4 =	simm.s32 $0x2  }
0x7: {  	[tilespmem:s3], [sflag:$0x2] =	stream.linear.gather [hbm4b:s5+s3], $0x300, $0x38;
	[tilespmem:$0x18400] =	vst v63  }
0x8: {  	_ =	swait.ge [sflag:s4], $0x300  }
0x9: {  	[sflag:s4] =	ssyncset.done $0x0  }
0xa: {  	s6 =	simm.s32 $0x80;
	s7 =	simm.s32 $0x400;
	[sflag:s4] =	ssyncadd.s32 $0xFFFFFD00  }
0xb: {  	[tilespmem:s7], [sflag:$0x1] =	stream.indirect.gather [hbm4b:s2+s6], $0x80, s3, s6, $0xb8;
	[tilespmem:$0x18400] =	vst v63  }
0xc: {  	s8 =	simm.s32 $0x4400  }
0xd: {  	[tilespmem:s8], [sflag:$0x1] =	stream.indirect.gather [hbm4b:s2+s6], $0x80, s6, s6, $0xb8;
	[tilespmem:$0x18400] =	vst v63  }
0xe: {  	s9 =	simm.s32 $0x100;
	s10 =	simm.s32 $0x8400  }
0xf: {  	[tilespmem:s10], [sflag:$0x1] =	stream.indirect.gather [hbm4b:s2+s6], $0x80, s9, s6, $0xb8;
	[tilespmem:$0x18400] =	vst v63  }
0x10: {  	s11 =	simm.s32 $0x180;
	s12 =	simm.s32 $0xC400  }
0x11: {  	[tilespmem:s12], [sflag:$0x1] =	stream.indirect.gather [hbm4b:s2+s6], $0x80, s11, s6, $0xb8;
	[tilespmem:$0x18400] =	vst v63  }
0x12: {  	s13 =	simm.s32 $0x200;
	s14 =	simm.s32 $0x10400  }
0x13: {  	[tilespmem:s14], [sflag:$0x1] =	stream.indirect.gather [hbm4b:s2+s6], $0x80, s13, s6, $0xb8;
	[tilespmem:$0x18400] =	vst v63  }
0x14: {  	s15 =	simm.s32 $0x280;
	s16 =	simm.s32 $0x14400;
	s17 =	simm.s32 $0x1  }
0x15: {  	[tilespmem:s16], [sflag:$0x1] =	stream.indirect.gather [hbm4b:s2+s6], $0x80, s15, s6, $0xb8;
	[tilespmem:$0x18400] =	vst v63  }
0x16: {  	_ =	swait.ge [sflag:s17], $0x4000  }
0x17: {  	[sflag:s17] =	ssyncset.done $0x0  }
0x18: {  	[sflag:s17] =	ssyncadd.s32 $0xFFFFC000  }
0x19: {  	_ =	swait.ge [sflag:s17], $0x4000  }
0x1a: {  	[sflag:s17] =	ssyncset.done $0x0  }
0x1b: {  	[sflag:s17] =	ssyncadd.s32 $0xFFFFC000  }
0x1c: {  	_ =	swait.ge [sflag:s17], $0x4000  }
0x1d: {  	[sflag:s17] =	ssyncset.done $0x0  }
0x1e: {  	[sflag:s17] =	ssyncadd.s32 $0xFFFFC000  }
0x1f: {  	_ =	swait.ge [sflag:s17], $0x4000  }
0x20: {  	[sflag:s17] =	ssyncset.done $0x0  }
0x21: {  	s18 =	ssub.s32 $0x2, s18;
	[sflag:s17] =	ssyncadd.s32 $0xFFFFC000  }
0x22: {  	s21 =	sshrl.u32 s18, $0x1;
	_ =	swait.ge [sflag:s17], $0x4000  }
0x23: {  	s30 =	ssub.s32 s18, s21;
	[sflag:s17] =	ssyncset.done $0x0  }
0x24: {  	s20 =	smul.u32 $0x3000, s20;
	s31 =	smax.u32 s30, $0x1;
	[sflag:s17] =	ssyncadd.s32 $0xFFFFC000  }
0x25: {  	p0 =	sne.s32 s31, $0x1;
	_ =	swait.ge [sflag:s17], $0x4000  }
.Ltmp0:
0x26: {  	s19 =	sadd.s32 s20, s19;
	[sflag:s17] =	ssyncset.done $0x0;
	(pc) =	sbr.rel @!p0 .LBB2_2-.Ltmp0, $4  }
0x27: {  	s18 =	sadd.s32 $0x2000, s19;
	[sflag:s17] =	ssyncadd.s32 $0xFFFFC000  }
0x28: {  	[hbm4b:s18+s3] =	stream.linear.scatter [tilespmem:s7], [sflag:$0x2], $0x18000, $0x38;
	[tilespmem:$0x18400] =	vst v63  }
0x29: {  	_ =	swait.ge [sflag:s4], $0x18000  }
0x2a: {  	s19 =	sadd.s32 $0xFFFFFFFF, s31;
	[sflag:s4] =	ssyncset.done $0x0  }
.LBB2_1:
0x2b: {  	p0 =	sne.s32 s19, $0x1;
	s19 =	sadd.s32 $0xFFFFFFFF, s19;
	[sflag:s4] =	ssyncadd.s32 $0xFFFE8000  }
0x2c: {  	[tilespmem:s3], [sflag:$0x2] =	stream.linear.gather [hbm4b:s5+s3], $0x300, $0x38;
	[tilespmem:$0x18400] =	vst v63  }
0x2d: {  	_ =	swait.ge [sflag:s4], $0x300  }
0x2e: {  	[sflag:s4] =	ssyncset.done $0x0  }
0x2f: {  	[sflag:s4] =	ssyncadd.s32 $0xFFFFFD00  }
0x30: {  	[tilespmem:s7], [sflag:$0x1] =	stream.indirect.gather [hbm4b:s2+s6], $0x80, s3, s6, $0xb8;
	[tilespmem:$0x18400] =	vst v63  }
0x31: {  	_ = 	snop  }
0x32: {  	[tilespmem:s8], [sflag:$0x1] =	stream.indirect.gather [hbm4b:s2+s6], $0x80, s6, s6, $0xb8;
	[tilespmem:$0x18400] =	vst v63  }
0x33: {  	_ = 	snop  }
0x34: {  	[tilespmem:s10], [sflag:$0x1] =	stream.indirect.gather [hbm4b:s2+s6], $0x80, s9, s6, $0xb8;
	[tilespmem:$0x18400] =	vst v63  }
0x35: {  	_ = 	snop  }
0x36: {  	[tilespmem:s12], [sflag:$0x1] =	stream.indirect.gather [hbm4b:s2+s6], $0x80, s11, s6, $0xb8;
	[tilespmem:$0x18400] =	vst v63  }
0x37: {  	_ = 	snop  }
0x38: {  	[tilespmem:s14], [sflag:$0x1] =	stream.indirect.gather [hbm4b:s2+s6], $0x80, s13, s6, $0xb8;
	[tilespmem:$0x18400] =	vst v63  }
0x39: {  	_ = 	snop  }
0x3a: {  	[tilespmem:s16], [sflag:$0x1] =	stream.indirect.gather [hbm4b:s2+s6], $0x80, s15, s6, $0xb8;
	[tilespmem:$0x18400] =	vst v63  }
0x3b: {  	_ =	swait.ge [sflag:s17], $0x4000  }
0x3c: {  	[sflag:s17] =	ssyncset.done $0x0  }
0x3d: {  	[sflag:s17] =	ssyncadd.s32 $0xFFFFC000  }
0x3e: {  	_ =	swait.ge [sflag:s17], $0x4000  }
0x3f: {  	[sflag:s17] =	ssyncset.done $0x0  }
0x40: {  	[sflag:s17] =	ssyncadd.s32 $0xFFFFC000  }
0x41: {  	_ =	swait.ge [sflag:s17], $0x4000  }
0x42: {  	[sflag:s17] =	ssyncset.done $0x0  }
0x43: {  	[sflag:s17] =	ssyncadd.s32 $0xFFFFC000  }
0x44: {  	_ =	swait.ge [sflag:s17], $0x4000  }
0x45: {  	[sflag:s17] =	ssyncset.done $0x0  }
0x46: {  	[sflag:s17] =	ssyncadd.s32 $0xFFFFC000  }
0x47: {  	_ =	swait.ge [sflag:s17], $0x4000  }
0x48: {  	[sflag:s17] =	ssyncset.done $0x0  }
0x49: {  	[sflag:s17] =	ssyncadd.s32 $0xFFFFC000  }
0x4a: {  	_ =	swait.ge [sflag:s17], $0x4000  }
.Ltmp1:
0x4b: {  	[sflag:s17] =	ssyncset.done $0x0;
	(pc) =	sbr.rel @p0 .LBB2_1-.Ltmp1, $4  }
0x4c: {  	[sflag:s17] =	ssyncadd.s32 $0xFFFFC000  }
0x4d: {  	[hbm4b:s18+s3] =	stream.linear.scatter [tilespmem:s7], [sflag:$0x2], $0x18000, $0x38;
	[tilespmem:$0x18400] =	vst v63  }
0x4e: {  	_ =	swait.ge [sflag:s4], $0x18000  }
0x4f: {  	[sflag:s4] =	ssyncset.done $0x0  }
.LBB2_2:
0x50: {  	[sflag:s4] =	ssyncadd.s32 $0xFFFE8000  }
0x51: {  	_ =	sfence.sel $0x180000  }
0x52: {  	[bflag:$0x0] =	sbarrier.arrive $0xFFFF  }
0x53: {  	p0 =	sne.s32 s0, $0x0;
	_ =	strace $0x90000047  }
0x54: {  	s0 =	sadd.s32 @!p0 $0x100000, s1;
	[bflag:$0x2] =	sbarrier.arrive $0xFFFF  }
0x55: {  	[sflag:s0] =	ssyncadd.tile.s32 @!p0 $0x1;
	_ =	shalt  }
.Lfunc_end2:
_tile_overlayer_lowered:
.L_overlay_start_2:
0x56: {  	(tag) =	ssettag $0x2  }
0x57: {  	s0 =	rddreg [dreg:$0x0];
	s2 =	stileid.u32  }
0x58: {  	s1 =	rddreg [dreg:$0x1];
	p0 =	sne.s32 s2, $0x0  }
0x59: {  	s3 =	rddreg [dreg:$0x2];
	[bflag:$0x3] =	sbarrier.arrive $0xFFFF;
	s2 =	simm.s32 @!p0 $0x1C02  }
0x5a: {  	[timem:s3], [sflag:s2] =	dma.local @!p0 [hbm:s0], s1  }
0x5b: {  	s0 =	simm.s32 @!p0 $0x2  }
0x5c: {  	_ =	swait.ge @!p0 [sflag:s0], s1  }
0x5d: {  	s1 =	ssub.s32 @!p0 $0x0, s1;
	[sflag:s0] =	ssyncset.done @!p0 $0x0  }
0x5e: {  	[sflag:s0] =	ssyncadd.s32 @!p0 s1  }
0x5f: {  	[bflag:$0x3] =	sbarrier.arrive $0xFFFF  }
0x60: {  	_ =	shalt  }

</sc_bundles>
